<compile_context>
chip_gen: v7x
topology: tpu7x:2x2x1
jax: 0.10.2.dev20260603
libtpu: 0.0.44.dev20260713+nightly
codegen_flags: <defaults>
</compile_context>

<pallas_src>
import functools
import jax
import jax.numpy as jnp
from jax import lax
from jax.experimental import pallas as pl
from jax.experimental.pallas import tpu as pltpu
from jax.experimental.pallas import tpu_sc as plsc

N, E, D, DE, H = 10000, 320000, 128, 16, 128
NC, NS, L = 2, 16, 16
NW = NC * NS
CH = 64
NCHUNKS = E // CH
BASE_CHUNKS = NCHUNKS // NW
EXTRA = NCHUNKS % NW
ROWS_PER_SUB = 624


def _node_prep_body(nf_ref, nh_ref, wn_ref, pr_ref):
    np_blk = lax.dot_general(nf_ref[...], wn_ref[...],
                             (((1,), (1,)), ((), ())),
                             preferred_element_type=jnp.float32)
    p = jnp.exp(np_blk - jnp.max(np_blk, axis=1, keepdims=True))
    pr_ref[:, :H] = p
    pr_ref[:, H:] = nh_ref[...] * p


def _edge_prep_body(ef_ref, we_ref, q_ref):
    ep = lax.dot_general(ef_ref[...], we_ref[...],
                         (((1,), (1,)), ((), ())),
                         preferred_element_type=jnp.float32)
    q_ref[...] = jnp.exp(ep - jnp.max(ep, axis=1, keepdims=True))


def _gru_body(hp_ref, nh_ref, wih_ref, whh_ref, bih_ref, bhh_ref, out_ref):
    h_new = hp_ref[0] + hp_ref[1]
    h = nh_ref[...]
    gi = lax.dot_general(h_new, wih_ref[...], (((1,), (1,)), ((), ())),
                         preferred_element_type=jnp.float32) + bih_ref[...]
    gh = lax.dot_general(h, whh_ref[...], (((1,), (1,)), ((), ())),
                         preferred_element_type=jnp.float32) + bhh_ref[...]
    r = jax.nn.sigmoid(gi[:, :H] + gh[:, :H])
    z = jax.nn.sigmoid(gi[:, H:2 * H] + gh[:, H:2 * H])
    n = jnp.tanh(gi[:, 2 * H:] + r * gh[:, 2 * H:])
    out_ref[...] = (1.0 - z) * n + z * h


def _sc_body(pr_hbm, q_hbm, ei_hbm, zero_hbm, out_hbm,
             src_a, dst_a, src_b, dst_b, pr_a, pr_b, q_a, q_b,
             acc_sh, sem_a, sem_b):
    cid = lax.axis_index("c")
    sid = lax.axis_index("s")
    wid = sid * NC + cid

    zrow = sid * ROWS_PER_SUB
    pltpu.sync_copy(zero_hbm.at[pl.ds(zrow, ROWS_PER_SUB)],
                    acc_sh.at[pl.ds(zrow, ROWS_PER_SUB)])

    @pl.when(sid == 0)
    def _():
        ztail = NS * ROWS_PER_SUB
        pltpu.sync_copy(zero_hbm.at[pl.ds(ztail, N - ztail)],
                        acc_sh.at[pl.ds(ztail, N - ztail)])

    plsc.subcore_barrier()

    n_chunks = BASE_CHUNKS + jnp.where(wid < EXTRA, 1, 0)

    def chunk_base(k):
        return (wid + k * NW) * CH

    def load_idx(k, src_v, dst_v, sem):
        base = chunk_base(k)
        cp_s = pltpu.async_copy(ei_hbm.at[pl.ds(base, CH)], src_v, sem)
        cp_d = pltpu.async_copy(ei_hbm.at[pl.ds(E + base, CH)], dst_v, sem)
        cp_s.wait()
        cp_d.wait()

    def issue_gathers(k, src_v, pr_v, q_v, sem):
        pltpu.async_copy(pr_hbm.at[src_v], pr_v, sem)
        pltpu.async_copy(q_hbm.at[pl.ds(chunk_base(k), CH)], q_v, sem)

    def wait_gathers(src_v, pr_v, q_v, sem):
        pltpu.make_async_copy(pr_hbm.at[src_v], pr_v, sem).wait()
        pltpu.make_async_copy(q_hbm.at[pl.ds(0, CH)], q_v, sem).wait()

    lanes = lax.iota(jnp.int32, L)
    dnums = lax.GatherDimensionNumbers(
        offset_dims=(), collapsed_slice_dims=(0,), start_index_map=(0,))

    def compute_scatter(dst_v, pr_v, q_v):
        @plsc.parallel_loop(0, CH, unroll=1)
        def edge_body(i):
            qs = [q_v[i, pl.ds(j * L, L)] for j in range(H // L)]
            rqs = [pr_v[i, pl.ds(H + j * L, L)] * qs[j] for j in range(H // L)]
            acc = pr_v[i, pl.ds(0, L)] * qs[0]
            for j in range(1, H // L):
                acc = acc + pr_v[i, pl.ds(j * L, L)] * qs[j]
            for step in (1, 2, 4, 8):
                perm = lax.gather(
                    acc, (lanes ^ step).reshape(L, 1), dnums,
                    slice_sizes=(1,),
                    mode=lax.GatherScatterMode.PROMISE_IN_BOUNDS)
                acc = acc + perm
            s = 1.0 / acc
            for j in range(H // L):
                q_v[i, pl.ds(j * L, L)] = rqs[j] * s

        pltpu.sync_copy(q_v, acc_sh.at[dst_v], add=True)

    load_idx(0, src_a, dst_a, sem_a)
    issue_gathers(0, src_a, pr_a, q_a, sem_a)

    def pair_body(kk, carry):
        k0 = 2 * kk
        load_idx(k0 + 1, src_b, dst_b, sem_b)
        issue_gathers(k0 + 1, src_b, pr_b, q_b, sem_b)
        wait_gathers(src_a, pr_a, q_a, sem_a)
        compute_scatter(dst_a, pr_a, q_a)

        @pl.when(k0 + 2 < n_chunks)
        def _():
            load_idx(k0 + 2, src_a, dst_a, sem_a)
            issue_gathers(k0 + 2, src_a, pr_a, q_a, sem_a)

        wait_gathers(src_b, pr_b, q_b, sem_b)
        compute_scatter(dst_b, pr_b, q_b)
        return carry

    lax.fori_loop(0, BASE_CHUNKS // 2, pair_body, 0)

    @pl.when(n_chunks > BASE_CHUNKS)
    def _():
        wait_gathers(src_a, pr_a, q_a, sem_a)
        compute_scatter(dst_a, pr_a, q_a)

    plsc.subcore_barrier()
    row0 = sid * ROWS_PER_SUB
    pltpu.sync_copy(acc_sh.at[pl.ds(row0, ROWS_PER_SUB)],
                    out_hbm.at[cid, pl.ds(row0, ROWS_PER_SUB)])

    tail0 = NS * ROWS_PER_SUB
    tail = N - tail0

    @pl.when(sid == 0)
    def _():
        pltpu.sync_copy(acc_sh.at[pl.ds(tail0, tail)],
                        out_hbm.at[cid, pl.ds(tail0, tail)])


_sc_scatter = functools.partial(
    pl.kernel,
    mesh=plsc.VectorSubcoreMesh(core_axis_name="c", subcore_axis_name="s"),
    out_type=jax.ShapeDtypeStruct((NC, N, H), jnp.float32),
    scratch_types=[
        pltpu.VMEM((CH,), jnp.int32),
        pltpu.VMEM((CH,), jnp.int32),
        pltpu.VMEM((CH,), jnp.int32),
        pltpu.VMEM((CH,), jnp.int32),
        pltpu.VMEM((CH, 2 * H), jnp.float32),
        pltpu.VMEM((CH, 2 * H), jnp.float32),
        pltpu.VMEM((CH, H), jnp.float32),
        pltpu.VMEM((CH, H), jnp.float32),
        pltpu.VMEM_SHARED((N, H), jnp.float32),
        pltpu.SemaphoreType.DMA,
        pltpu.SemaphoreType.DMA,
    ],
)(_sc_body)


def kernel(node_feats, edge_feats, node_hidden, edge_index, W_node, W_edge,
           W_ih, W_hh, b_ih, b_hh):
    BN = 1000
    pr_arr = pl.pallas_call(
        _node_prep_body,
        grid=(N // BN,),
        in_specs=[pl.BlockSpec((BN, D), lambda i: (i, 0)),
                  pl.BlockSpec((BN, H), lambda i: (i, 0)),
                  pl.BlockSpec((H, D), lambda i: (0, 0))],
        out_specs=pl.BlockSpec((BN, 2 * H), lambda i: (i, 0)),
        out_shape=jax.ShapeDtypeStruct((N, 2 * H), jnp.float32),
    )(node_feats, node_hidden, W_node)

    BE = 16000
    q_arr = pl.pallas_call(
        _edge_prep_body,
        grid=(E // BE,),
        in_specs=[pl.BlockSpec((BE, DE), lambda i: (i, 0)),
                  pl.BlockSpec((H, DE), lambda i: (0, 0))],
        out_specs=pl.BlockSpec((BE, H), lambda i: (i, 0)),
        out_shape=jax.ShapeDtypeStruct((E, H), jnp.float32),
    )(edge_feats, W_edge)

    zeros = jnp.zeros((N, H), jnp.float32)
    hp = _sc_scatter(pr_arr, q_arr, edge_index.reshape(2 * E), zeros)

    BG = 1000
    out = pl.pallas_call(
        _gru_body,
        grid=(N // BG,),
        in_specs=[pl.BlockSpec((2, BG, H), lambda i: (0, i, 0)),
                  pl.BlockSpec((BG, H), lambda i: (i, 0)),
                  pl.BlockSpec((3 * H, H), lambda i: (0, 0)),
                  pl.BlockSpec((3 * H, H), lambda i: (0, 0)),
                  pl.BlockSpec((1, 3 * H), lambda i: (0, 0)),
                  pl.BlockSpec((1, 3 * H), lambda i: (0, 0))],
        out_specs=pl.BlockSpec((BG, H), lambda i: (i, 0)),
        out_shape=jax.ShapeDtypeStruct((N, H), jnp.float32),
    )(hp, node_hidden, W_ih, W_hh, b_ih.reshape(1, 3 * H),
      b_hh.reshape(1, 3 * H))
    return out

# --- scband reference (transcript-rebuilt; emitter-appended) ---
"""Pipeline reference for scband-attentive-gru-11158325035412 (READ-ONLY COPY).

The authoritative reference and input builder live on the scoring server;
editing this copy changes nothing except your own understanding.
"""

import jax, jax.numpy as jnp
import numpy as np

N, E, D, DE, H = 10000, 320000, 128, 16, 128

def setup_inputs(seed: int = 0) -> dict:
    key = jax.random.key(seed)
    ks = jax.random.split(key, 12)
    inp = {}
    inp["node_feats"] = jax.random.normal(ks[0], (N, D), dtype=jnp.float32)
    inp["edge_feats"] = jax.random.normal(ks[1], (E, DE), dtype=jnp.float32)
    inp["node_hidden"] = jax.random.normal(ks[2], (N, H), dtype=jnp.float32)
    inp["edge_index"] = jax.random.randint(ks[3], (2, E), 0, N, dtype=jnp.int32)
    # Linear layers (no bias): kaiming-uniform-ish init
    s_node = 1.0 / np.sqrt(D)
    s_edge = 1.0 / np.sqrt(DE)
    inp["W_node"] = jax.random.uniform(ks[4], (H, D), minval=-s_node, maxval=s_node, dtype=jnp.float32)
    inp["W_edge"] = jax.random.uniform(ks[5], (H, DE), minval=-s_edge, maxval=s_edge, dtype=jnp.float32)
    # GRUCell params (torch layout: [3H, H] with r,z,n gate order)
    s_h = 1.0 / np.sqrt(H)
    inp["W_ih"] = jax.random.uniform(ks[6], (3 * H, H), minval=-s_h, maxval=s_h, dtype=jnp.float32)
    inp["W_hh"] = jax.random.uniform(ks[7], (3 * H, H), minval=-s_h, maxval=s_h, dtype=jnp.float32)
    inp["b_ih"] = jax.random.uniform(ks[8], (3 * H,), minval=-s_h, maxval=s_h, dtype=jnp.float32)
    inp["b_hh"] = jax.random.uniform(ks[9], (3 * H,), minval=-s_h, maxval=s_h, dtype=jnp.float32)
    return inp


def _gru_cell(x, h, W_ih, W_hh, b_ih, b_hh):
    gi = x @ W_ih.T + b_ih
    gh = h @ W_hh.T + b_hh
    i_r, i_z, i_n = jnp.split(gi, 3, axis=1)
    h_r, h_z, h_n = jnp.split(gh, 3, axis=1)
    r = jax.nn.sigmoid(i_r + h_r)
    z = jax.nn.sigmoid(i_z + h_z)
    n = jnp.tanh(i_n + r * h_n)
    return (1.0 - z) * n + z * h


def reference(node_feats, edge_feats, node_hidden, edge_index, W_node, W_edge, W_ih, W_hh, b_ih, b_hh):
    src = edge_index[0]
    dst = edge_index[1]
    edge_proj = edge_feats @ W_edge.T            # [E, H]
    node_proj = node_feats @ W_node.T            # [N, H]
    edge_msg = jnp.take(node_proj, src, axis=0) + edge_proj   # u_add_e -> [E, H]
    # F.softmax(edge_msg, dim=1): softmax over the hidden dim, per edge (faithful to source)
    alpha = jax.nn.softmax(edge_msg, axis=1)
    m = jnp.take(node_hidden, src, axis=0) * alpha             # u_mul_e
    h_new = jnp.zeros_like(node_hidden).at[dst].add(m)          # sum -> h_new
    new_hidden = _gru_cell(h_new, node_hidden, W_ih, W_hh, b_ih, b_hh)
    return new_hidden

if __name__ == "__main__":
    import jax
    _d = setup_inputs()
    print(jax.jit(kernel)(*tuple(_d.values())))

</pallas_src>

<mosaic_0001>
#map = affine_map<(d0, d1) -> (0, 0)>
#map1 = affine_map<(d0, d1) -> (0)>
#map2 = affine_map<(d0, d1) -> (0, 0, 0)>
module attributes {stable_mosaic.version = 14 : i64} {
  func.func @_sc_body(%arg0: i32, %arg1: i32, %arg2: memref<10000x256xf32, #tpu.memory_space<hbm>>, %arg3: memref<320000x128xf32, #tpu.memory_space<hbm>>, %arg4: memref<640000xi32, #tpu.memory_space<hbm>>, %arg5: memref<10000x128xf32, #tpu.memory_space<hbm>>, %arg6: memref<2x10000x128xf32, #tpu.memory_space<hbm>>, %arg7: memref<64xi32, #tpu.memory_space<vmem>>, %arg8: memref<64xi32, #tpu.memory_space<vmem>>, %arg9: memref<64xi32, #tpu.memory_space<vmem>>, %arg10: memref<64xi32, #tpu.memory_space<vmem>>, %arg11: memref<64x256xf32, #tpu.memory_space<vmem>>, %arg12: memref<64x256xf32, #tpu.memory_space<vmem>>, %arg13: memref<64x128xf32, #tpu.memory_space<vmem>>, %arg14: memref<64x128xf32, #tpu.memory_space<vmem>>, %arg15: memref<10000x128xf32, #tpu.memory_space<vmem_shared>>, %arg16: memref<!tpu.dma_semaphore, #tpu.memory_space<semaphore_mem>>, %arg17: memref<!tpu.dma_semaphore, #tpu.memory_space<semaphore_mem>>) attributes {dimension_semantics = [#tpu.dimension_semantics<core_parallel>, #tpu.dimension_semantics<subcore_parallel>], iteration_bounds = array<i64: 2, 16>, scalar_prefetch = 0 : i64, scratch_operands = 11 : i64, tpu.core_type = #tpu.core_type<sc_vector_subcore>, window_params = [{transform_indices = #map}, {transform_indices = #map}, {transform_indices = #map1}, {transform_indices = #map}, {transform_indices = #map2}]} {
    %mul3A = arith.constant 2 : i32
    %mul3A_0 = arith.muli %arg1, %mul3A : i32
    %add3A = arith.addi %mul3A_0, %arg0 : i32
    %mul3A_1 = arith.constant 624 : i32
    %mul3A_2 = arith.muli %arg1, %mul3A_1 : i32
    "tpu.region"() ({
      %run_scoped3A = tpu.sem_alloc : memref<!tpu.dma_semaphore, #tpu.memory_space<semaphore_mem>>
      %dma_start3A_49 = arith.constant 0 : i32
      %dma_start3A_50 = tpu.memref_slice %arg15[%mul3A_2, %dma_start3A_49] : memref<10000x128xf32, #tpu.memory_space<vmem_shared>> -> memref<624x128xf32, #tpu.memory_space<vmem_shared>>
      %dma_start3A_51 = arith.constant 0 : i32
      %dma_start3A_52 = tpu.memref_slice %arg5[%mul3A_2, %dma_start3A_51] : memref<10000x128xf32, #tpu.memory_space<hbm>> -> memref<624x128xf32, #tpu.memory_space<hbm>>
      tpu.enqueue_dma source(%dma_start3A_52 : memref<624x128xf32, #tpu.memory_space<hbm>>) target(%dma_start3A_50 : memref<624x128xf32, #tpu.memory_space<vmem_shared>>) target_semaphore(%run_scoped3A : memref<!tpu.dma_semaphore, #tpu.memory_space<semaphore_mem>>)
      %dma_wait3A_53 = arith.constant 0 : i32
      %dma_wait3A_54 = tpu.memref_slice %arg15[%mul3A_2, %dma_wait3A_53] : memref<10000x128xf32, #tpu.memory_space<vmem_shared>> -> memref<624x128xf32, #tpu.memory_space<vmem_shared>>
      %dma_wait3A_55 = arith.constant 0 : i32
      %dma_wait3A_56 = tpu.memref_slice %arg5[%mul3A_2, %dma_wait3A_55] : memref<10000x128xf32, #tpu.memory_space<hbm>> -> memref<624x128xf32, #tpu.memory_space<hbm>>
      tpu.wait_dma2 semaphore(%run_scoped3A : memref<!tpu.dma_semaphore, #tpu.memory_space<semaphore_mem>>) src(%dma_wait3A_56 : memref<624x128xf32, #tpu.memory_space<hbm>>) dst(%dma_wait3A_54 : memref<624x128xf32, #tpu.memory_space<vmem_shared>>)
      tpu.yield
    }) : () -> ()
    %eq3A = arith.constant 0 : i32
    %eq3A_3 = arith.cmpi eq, %arg1, %eq3A : i32
    %convert_element_type3A = arith.extui %eq3A_3 : i1 to i32
    %cond3A = arith.constant 0 : i32
    %cond3A_4 = arith.cmpi ne, %convert_element_type3A, %cond3A : i32
    scf.if %cond3A_4 {
      "tpu.region"() ({
        %run_scoped3A = tpu.sem_alloc : memref<!tpu.dma_semaphore, #tpu.memory_space<semaphore_mem>>
        %dma_start3A_49 = arith.constant 9984 : i32
        %dma_start3A_50 = arith.constant 0 : i32
        %dma_start3A_51 = tpu.memref_slice %arg15[%dma_start3A_49, %dma_start3A_50] : memref<10000x128xf32, #tpu.memory_space<vmem_shared>> -> memref<16x128xf32, #tpu.memory_space<vmem_shared>>
        %dma_start3A_52 = arith.constant 9984 : i32
        %dma_start3A_53 = arith.constant 0 : i32
        %dma_start3A_54 = tpu.memref_slice %arg5[%dma_start3A_52, %dma_start3A_53] : memref<10000x128xf32, #tpu.memory_space<hbm>> -> memref<16x128xf32, #tpu.memory_space<hbm>>
        tpu.enqueue_dma source(%dma_start3A_54 : memref<16x128xf32, #tpu.memory_space<hbm>>) target(%dma_start3A_51 : memref<16x128xf32, #tpu.memory_space<vmem_shared>>) target_semaphore(%run_scoped3A : memref<!tpu.dma_semaphore, #tpu.memory_space<semaphore_mem>>)
        %dma_wait3A_55 = arith.constant 9984 : i32
        %dma_wait3A_56 = arith.constant 0 : i32
        %dma_wait3A_57 = tpu.memref_slice %arg15[%dma_wait3A_55, %dma_wait3A_56] : memref<10000x128xf32, #tpu.memory_space<vmem_shared>> -> memref<16x128xf32, #tpu.memory_space<vmem_shared>>
        %dma_wait3A_58 = arith.constant 9984 : i32
        %dma_wait3A_59 = arith.constant 0 : i32
        %dma_wait3A_60 = tpu.memref_slice %arg5[%dma_wait3A_58, %dma_wait3A_59] : memref<10000x128xf32, #tpu.memory_space<hbm>> -> memref<16x128xf32, #tpu.memory_space<hbm>>
        tpu.wait_dma2 semaphore(%run_scoped3A : memref<!tpu.dma_semaphore, #tpu.memory_space<semaphore_mem>>) src(%dma_wait3A_60 : memref<16x128xf32, #tpu.memory_space<hbm>>) dst(%dma_wait3A_57 : memref<16x128xf32, #tpu.memory_space<vmem_shared>>)
        tpu.yield
      }) : () -> ()
    } else {
    }
    %barrier3A = arith.constant 0 : index
    tpu.barrier barrier_id(%barrier3A)
    %lt3A = arith.constant 8 : i32
    %lt3A_5 = arith.cmpi slt, %add3A, %lt3A : i32
    %jit3A = arith.constant 1 : i32
    %jit3A_6 = arith.constant 0 : i32
    %select_n3A = arith.select %lt3A_5, %jit3A, %jit3A_6 : i32
    %add3A_7 = arith.constant 156 : i32
    %add3A_8 = arith.addi %add3A_7, %select_n3A : i32
    %iota3A = tpu.iota {dimensions = array<i32: 0>} : vector<16xi32>
    %add3A_9 = arith.constant 0 : i32
    %add3A_10 = arith.addi %add3A, %add3A_9 : i32
    %mul3A_11 = arith.constant 64 : i32
    %mul3A_12 = arith.muli %add3A_10, %mul3A_11 : i32
    %dma_start3A = tpu.memref_slice %arg4[%mul3A_12] : memref<640000xi32, #tpu.memory_space<hbm>> -> memref<64xi32, #tpu.memory_space<hbm>>
    %dma_start3A_13 = tpu.memref_slice %arg4[%mul3A_12] : memref<640000xi32, #tpu.memory_space<hbm>> -> memref<64xi32, #tpu.memory_space<hbm>>
    tpu.enqueue_dma source(%dma_start3A_13 : memref<64xi32, #tpu.memory_space<hbm>>) target(%arg7 : memref<64xi32, #tpu.memory_space<vmem>>) target_semaphore(%arg16 : memref<!tpu.dma_semaphore, #tpu.memory_space<semaphore_mem>>)
    %add3A_14 = arith.constant 320000 : i32
    %add3A_15 = arith.addi %add3A_14, %mul3A_12 : i32
    %dma_start3A_16 = tpu.memref_slice %arg4[%add3A_15] : memref<640000xi32, #tpu.memory_space<hbm>> -> memref<64xi32, #tpu.memory_space<hbm>>
    %dma_start3A_17 = tpu.memref_slice %arg4[%add3A_15] : memref<640000xi32, #tpu.memory_space<hbm>> -> memref<64xi32, #tpu.memory_space<hbm>>
    tpu.enqueue_dma source(%dma_start3A_17 : memref<64xi32, #tpu.memory_space<hbm>>) target(%arg8 : memref<64xi32, #tpu.memory_space<vmem>>) target_semaphore(%arg16 : memref<!tpu.dma_semaphore, #tpu.memory_space<semaphore_mem>>)
    %dma_wait3A = tpu.memref_slice %arg4[%mul3A_12] : memref<640000xi32, #tpu.memory_space<hbm>> -> memref<64xi32, #tpu.memory_space<hbm>>
    %dma_wait3A_18 = tpu.memref_slice %arg4[%mul3A_12] : memref<640000xi32, #tpu.memory_space<hbm>> -> memref<64xi32, #tpu.memory_space<hbm>>
    tpu.wait_dma2 semaphore(%arg16 : memref<!tpu.dma_semaphore, #tpu.memory_space<semaphore_mem>>) src(%dma_wait3A_18 : memref<64xi32, #tpu.memory_space<hbm>>) dst(%arg7 : memref<64xi32, #tpu.memory_space<vmem>>)
    %dma_wait3A_19 = tpu.memref_slice %arg4[%add3A_15] : memref<640000xi32, #tpu.memory_space<hbm>> -> memref<64xi32, #tpu.memory_space<hbm>>
    %dma_wait3A_20 = tpu.memref_slice %arg4[%add3A_15] : memref<640000xi32, #tpu.memory_space<hbm>> -> memref<64xi32, #tpu.memory_space<hbm>>
    tpu.wait_dma2 semaphore(%arg16 : memref<!tpu.dma_semaphore, #tpu.memory_space<semaphore_mem>>) src(%dma_wait3A_20 : memref<64xi32, #tpu.memory_space<hbm>>) dst(%arg8 : memref<64xi32, #tpu.memory_space<vmem>>)
    %dma_start3A_21 = arith.constant 0 : i32
    %dma_start3A_22 = arith.constant 0 : i32
    %dma_start3A_23 = tpu.memref_slice %arg2[%dma_start3A_21, %dma_start3A_22] : memref<10000x256xf32, #tpu.memory_space<hbm>> -> memref<10000x256xf32, #tpu.memory_space<hbm>>
    tpu.enqueue_indirect_dma source(%dma_start3A_23 : memref<10000x256xf32, #tpu.memory_space<hbm>>) target(%arg11 : memref<64x256xf32, #tpu.memory_space<vmem>>) offsets(%arg7 : memref<64xi32, #tpu.memory_space<vmem>>) semaphore(%arg16 : memref<!tpu.dma_semaphore, #tpu.memory_space<semaphore_mem>>)
    %add3A_24 = arith.constant 0 : i32
    %add3A_25 = arith.addi %add3A, %add3A_24 : i32
    %mul3A_26 = arith.constant 64 : i32
    %mul3A_27 = arith.muli %add3A_25, %mul3A_26 : i32
    %dma_start3A_28 = arith.constant 0 : i32
    %dma_start3A_29 = tpu.memref_slice %arg3[%mul3A_27, %dma_start3A_28] : memref<320000x128xf32, #tpu.memory_space<hbm>> -> memref<64x128xf32, #tpu.memory_space<hbm>>
    %dma_start3A_30 = arith.constant 0 : i32
    %dma_start3A_31 = tpu.memref_slice %arg3[%mul3A_27, %dma_start3A_30] : memref<320000x128xf32, #tpu.memory_space<hbm>> -> memref<64x128xf32, #tpu.memory_space<hbm>>
    tpu.enqueue_dma source(%dma_start3A_31 : memref<64x128xf32, #tpu.memory_space<hbm>>) target(%arg13 : memref<64x128xf32, #tpu.memory_space<vmem>>) target_semaphore(%arg16 : memref<!tpu.dma_semaphore, #tpu.memory_space<semaphore_mem>>)
    %scan3A = arith.constant 0 : i32
    %scan3A_32 = arith.constant 0 : i32
    %scan3A_33 = arith.constant 78 : i32
    %scan3A_34 = arith.addi %scan3A_32, %scan3A_33 : i32
    %scan3A_35 = arith.constant 1 : i32
    scf.for %scan3A_49 = %scan3A_32 to %scan3A_34 step %scan3A_35  : i32 {
      %mul3A_50 = arith.constant 2 : i32
      %mul3A_51 = arith.muli %mul3A_50, %scan3A_49 : i32
      %add3A_52 = arith.constant 1 : i32
      %add3A_53 = arith.addi %mul3A_51, %add3A_52 : i32
      %mul3A_54 = arith.constant 32 : i32
      %mul3A_55 = arith.muli %add3A_53, %mul3A_54 : i32
      %add3A_56 = arith.addi %add3A, %mul3A_55 : i32
      %mul3A_57 = arith.constant 64 : i32
      %mul3A_58 = arith.muli %add3A_56, %mul3A_57 : i32
      %dma_start3A_59 = tpu.memref_slice %arg4[%mul3A_58] : memref<640000xi32, #tpu.memory_space<hbm>> -> memref<64xi32, #tpu.memory_space<hbm>>
      %dma_start3A_60 = tpu.memref_slice %arg4[%mul3A_58] : memref<640000xi32, #tpu.memory_space<hbm>> -> memref<64xi32, #tpu.memory_space<hbm>>
      tpu.enqueue_dma source(%dma_start3A_60 : memref<64xi32, #tpu.memory_space<hbm>>) target(%arg9 : memref<64xi32, #tpu.memory_space<vmem>>) target_semaphore(%arg17 : memref<!tpu.dma_semaphore, #tpu.memory_space<semaphore_mem>>)
      %add3A_61 = arith.constant 320000 : i32
      %add3A_62 = arith.addi %add3A_61, %mul3A_58 : i32
      %dma_start3A_63 = tpu.memref_slice %arg4[%add3A_62] : memref<640000xi32, #tpu.memory_space<hbm>> -> memref<64xi32, #tpu.memory_space<hbm>>
      %dma_start3A_64 = tpu.memref_slice %arg4[%add3A_62] : memref<640000xi32, #tpu.memory_space<hbm>> -> memref<64xi32, #tpu.memory_space<hbm>>
      tpu.enqueue_dma source(%dma_start3A_64 : memref<64xi32, #tpu.memory_space<hbm>>) target(%arg10 : memref<64xi32, #tpu.memory_space<vmem>>) target_semaphore(%arg17 : memref<!tpu.dma_semaphore, #tpu.memory_space<semaphore_mem>>)
      %dma_wait3A_65 = tpu.memref_slice %arg4[%mul3A_58] : memref<640000xi32, #tpu.memory_space<hbm>> -> memref<64xi32, #tpu.memory_space<hbm>>
      %dma_wait3A_66 = tpu.memref_slice %arg4[%mul3A_58] : memref<640000xi32, #tpu.memory_space<hbm>> -> memref<64xi32, #tpu.memory_space<hbm>>
      tpu.wait_dma2 semaphore(%arg17 : memref<!tpu.dma_semaphore, #tpu.memory_space<semaphore_mem>>) src(%dma_wait3A_66 : memref<64xi32, #tpu.memory_space<hbm>>) dst(%arg9 : memref<64xi32, #tpu.memory_space<vmem>>)
      %dma_wait3A_67 = tpu.memref_slice %arg4[%add3A_62] : memref<640000xi32, #tpu.memory_space<hbm>> -> memref<64xi32, #tpu.memory_space<hbm>>
      %dma_wait3A_68 = tpu.memref_slice %arg4[%add3A_62] : memref<640000xi32, #tpu.memory_space<hbm>> -> memref<64xi32, #tpu.memory_space<hbm>>
      tpu.wait_dma2 semaphore(%arg17 : memref<!tpu.dma_semaphore, #tpu.memory_space<semaphore_mem>>) src(%dma_wait3A_68 : memref<64xi32, #tpu.memory_space<hbm>>) dst(%arg10 : memref<64xi32, #tpu.memory_space<vmem>>)
      %add3A_69 = arith.constant 1 : i32
      %add3A_70 = arith.addi %mul3A_51, %add3A_69 : i32
      %dma_start3A_71 = arith.constant 0 : i32
      %dma_start3A_72 = arith.constant 0 : i32
      %dma_start3A_73 = tpu.memref_slice %arg2[%dma_start3A_71, %dma_start3A_72] : memref<10000x256xf32, #tpu.memory_space<hbm>> -> memref<10000x256xf32, #tpu.memory_space<hbm>>
      tpu.enqueue_indirect_dma source(%dma_start3A_73 : memref<10000x256xf32, #tpu.memory_space<hbm>>) target(%arg12 : memref<64x256xf32, #tpu.memory_space<vmem>>) offsets(%arg9 : memref<64xi32, #tpu.memory_space<vmem>>) semaphore(%arg17 : memref<!tpu.dma_semaphore, #tpu.memory_space<semaphore_mem>>)
      %mul3A_74 = arith.constant 32 : i32
      %mul3A_75 = arith.muli %add3A_70, %mul3A_74 : i32
      %add3A_76 = arith.addi %add3A, %mul3A_75 : i32
      %mul3A_77 = arith.constant 64 : i32
      %mul3A_78 = arith.muli %add3A_76, %mul3A_77 : i32
      %dma_start3A_79 = arith.constant 0 : i32
      %dma_start3A_80 = tpu.memref_slice %arg3[%mul3A_78, %dma_start3A_79] : memref<320000x128xf32, #tpu.memory_space<hbm>> -> memref<64x128xf32, #tpu.memory_space<hbm>>
      %dma_start3A_81 = arith.constant 0 : i32
      %dma_start3A_82 = tpu.memref_slice %arg3[%mul3A_78, %dma_start3A_81] : memref<320000x128xf32, #tpu.memory_space<hbm>> -> memref<64x128xf32, #tpu.memory_space<hbm>>
      tpu.enqueue_dma source(%dma_start3A_82 : memref<64x128xf32, #tpu.memory_space<hbm>>) target(%arg14 : memref<64x128xf32, #tpu.memory_space<vmem>>) target_semaphore(%arg17 : memref<!tpu.dma_semaphore, #tpu.memory_space<semaphore_mem>>)
      %dma_wait3A_83 = arith.constant 0 : i32
      %dma_wait3A_84 = arith.constant 0 : i32
      %dma_wait3A_85 = tpu.memref_slice %arg2[%dma_wait3A_83, %dma_wait3A_84] : memref<10000x256xf32, #tpu.memory_space<hbm>> -> memref<10000x256xf32, #tpu.memory_space<hbm>>
      tpu.wait_indirect_dma semaphore(%arg16 : memref<!tpu.dma_semaphore, #tpu.memory_space<semaphore_mem>>) src(%dma_wait3A_85 : memref<10000x256xf32, #tpu.memory_space<hbm>>) dst(%arg11 : memref<64x256xf32, #tpu.memory_space<vmem>>)
      %dma_wait3A_86 = arith.constant 0 : i32
      %dma_wait3A_87 = arith.constant 0 : i32
      %dma_wait3A_88 = tpu.memref_slice %arg3[%dma_wait3A_86, %dma_wait3A_87] : memref<320000x128xf32, #tpu.memory_space<hbm>> -> memref<64x128xf32, #tpu.memory_space<hbm>>
      %dma_wait3A_89 = arith.constant 0 : i32
      %dma_wait3A_90 = arith.constant 0 : i32
      %dma_wait3A_91 = tpu.memref_slice %arg3[%dma_wait3A_89, %dma_wait3A_90] : memref<320000x128xf32, #tpu.memory_space<hbm>> -> memref<64x128xf32, #tpu.memory_space<hbm>>
      tpu.wait_dma2 semaphore(%arg16 : memref<!tpu.dma_semaphore, #tpu.memory_space<semaphore_mem>>) src(%dma_wait3A_91 : memref<64x128xf32, #tpu.memory_space<hbm>>) dst(%arg13 : memref<64x128xf32, #tpu.memory_space<vmem>>)
      %parallel_loop3A = arith.constant 0 : i32
      %parallel_loop3A_92 = arith.constant 64 : i32
      %parallel_loop3A_93 = arith.constant 1 : i32
      scf.for %parallel_loop3A_112 = %parallel_loop3A to %parallel_loop3A_92 step %parallel_loop3A_93  : i32 {
        %parallel_loop3A_113 = arith.index_cast %parallel_loop3A_112 : i32 to index
        %parallel_loop3A_114 = arith.constant 0 : index
        %parallel_loop3A_115 = tpu.vector_load %arg13[%parallel_loop3A_113, %parallel_loop3A_114] {strides = array<i32>} : memref<64x128xf32, #tpu.memory_space<vmem>>, vector<1x16xf32>,
        %parallel_loop3A_116 = vector.shape_cast %parallel_loop3A_115 : vector<1x16xf32> to vector<16xf32>
        %parallel_loop3A_117 = arith.index_cast %parallel_loop3A_112 : i32 to index
        %parallel_loop3A_118 = arith.constant 16 : index
        %parallel_loop3A_119 = tpu.vector_load %arg13[%parallel_loop3A_117, %parallel_loop3A_118] {strides = array<i32>} : memref<64x128xf32, #tpu.memory_space<vmem>>, vector<1x16xf32>,
        %parallel_loop3A_120 = vector.shape_cast %parallel_loop3A_119 : vector<1x16xf32> to vector<16xf32>
        %parallel_loop3A_121 = arith.index_cast %parallel_loop3A_112 : i32 to index
        %parallel_loop3A_122 = arith.constant 32 : index
        %parallel_loop3A_123 = tpu.vector_load %arg13[%parallel_loop3A_121, %parallel_loop3A_122] {strides = array<i32>} : memref<64x128xf32, #tpu.memory_space<vmem>>, vector<1x16xf32>,
        %parallel_loop3A_124 = vector.shape_cast %parallel_loop3A_123 : vector<1x16xf32> to vector<16xf32>
        %parallel_loop3A_125 = arith.index_cast %parallel_loop3A_112 : i32 to index
        %parallel_loop3A_126 = arith.constant 48 : index
        %parallel_loop3A_127 = tpu.vector_load %arg13[%parallel_loop3A_125, %parallel_loop3A_126] {strides = array<i32>} : memref<64x128xf32, #tpu.memory_space<vmem>>, vector<1x16xf32>,
        %parallel_loop3A_128 = vector.shape_cast %parallel_loop3A_127 : vector<1x16xf32> to vector<16xf32>
        %parallel_loop3A_129 = arith.index_cast %parallel_loop3A_112 : i32 to index
        %parallel_loop3A_130 = arith.constant 64 : index
        %parallel_loop3A_131 = tpu.vector_load %arg13[%parallel_loop3A_129, %parallel_loop3A_130] {strides = array<i32>} : memref<64x128xf32, #tpu.memory_space<vmem>>, vector<1x16xf32>,
        %parallel_loop3A_132 = vector.shape_cast %parallel_loop3A_131 : vector<1x16xf32> to vector<16xf32>
        %parallel_loop3A_133 = arith.index_cast %parallel_loop3A_112 : i32 to index
        %parallel_loop3A_134 = arith.constant 80 : index
        %parallel_loop3A_135 = tpu.vector_load %arg13[%parallel_loop3A_133, %parallel_loop3A_134] {strides = array<i32>} : memref<64x128xf32, #tpu.memory_space<vmem>>, vector<1x16xf32>,
        %parallel_loop3A_136 = vector.shape_cast %parallel_loop3A_135 : vector<1x16xf32> to vector<16xf32>
        %parallel_loop3A_137 = arith.index_cast %parallel_loop3A_112 : i32 to index
        %parallel_loop3A_138 = arith.constant 96 : index
        %parallel_loop3A_139 = tpu.vector_load %arg13[%parallel_loop3A_137, %parallel_loop3A_138] {strides = array<i32>} : memref<64x128xf32, #tpu.memory_space<vmem>>, vector<1x16xf32>,
        %parallel_loop3A_140 = vector.shape_cast %parallel_loop3A_139 : vector<1x16xf32> to vector<16xf32>
        %parallel_loop3A_141 = arith.index_cast %parallel_loop3A_112 : i32 to index
        %parallel_loop3A_142 = arith.constant 112 : index
        %parallel_loop3A_143 = tpu.vector_load %arg13[%parallel_loop3A_141, %parallel_loop3A_142] {strides = array<i32>} : memref<64x128xf32, #tpu.memory_space<vmem>>, vector<1x16xf32>,
        %parallel_loop3A_144 = vector.shape_cast %parallel_loop3A_143 : vector<1x16xf32> to vector<16xf32>
        %parallel_loop3A_145 = arith.index_cast %parallel_loop3A_112 : i32 to index
        %parallel_loop3A_146 = arith.constant 128 : index
        %parallel_loop3A_147 = tpu.vector_load %arg11[%parallel_loop3A_145, %parallel_loop3A_146] {strides = array<i32>} : memref<64x256xf32, #tpu.memory_space<vmem>>, vector<1x16xf32>,
        %parallel_loop3A_148 = vector.shape_cast %parallel_loop3A_147 : vector<1x16xf32> to vector<16xf32>
        %parallel_loop3A_149 = arith.mulf %parallel_loop3A_148, %parallel_loop3A_116 : vector<16xf32>
        %parallel_loop3A_150 = arith.index_cast %parallel_loop3A_112 : i32 to index
        %parallel_loop3A_151 = arith.constant 144 : index
        %parallel_loop3A_152 = tpu.vector_load %arg11[%parallel_loop3A_150, %parallel_loop3A_151] {strides = array<i32>} : memref<64x256xf32, #tpu.memory_space<vmem>>, vector<1x16xf32>,
        %parallel_loop3A_153 = vector.shape_cast %parallel_loop3A_152 : vector<1x16xf32> to vector<16xf32>
        %parallel_loop3A_154 = arith.mulf %parallel_loop3A_153, %parallel_loop3A_120 : vector<16xf32>
        %parallel_loop3A_155 = arith.index_cast %parallel_loop3A_112 : i32 to index
        %parallel_loop3A_156 = arith.constant 160 : index
        %parallel_loop3A_157 = tpu.vector_load %arg11[%parallel_loop3A_155, %parallel_loop3A_156] {strides = array<i32>} : memref<64x256xf32, #tpu.memory_space<vmem>>, vector<1x16xf32>,
        %parallel_loop3A_158 = vector.shape_cast %parallel_loop3A_157 : vector<1x16xf32> to vector<16xf32>
        %parallel_loop3A_159 = arith.mulf %parallel_loop3A_158, %parallel_loop3A_124 : vector<16xf32>
        %parallel_loop3A_160 = arith.index_cast %parallel_loop3A_112 : i32 to index
        %parallel_loop3A_161 = arith.constant 176 : index
        %parallel_loop3A_162 = tpu.vector_load %arg11[%parallel_loop3A_160, %parallel_loop3A_161] {strides = array<i32>} : memref<64x256xf32, #tpu.memory_space<vmem>>, vector<1x16xf32>,
        %parallel_loop3A_163 = vector.shape_cast %parallel_loop3A_162 : vector<1x16xf32> to vector<16xf32>
        %parallel_loop3A_164 = arith.mulf %parallel_loop3A_163, %parallel_loop3A_128 : vector<16xf32>
        %parallel_loop3A_165 = arith.index_cast %parallel_loop3A_112 : i32 to index
        %parallel_loop3A_166 = arith.constant 192 : index
        %parallel_loop3A_167 = tpu.vector_load %arg11[%parallel_loop3A_165, %parallel_loop3A_166] {strides = array<i32>} : memref<64x256xf32, #tpu.memory_space<vmem>>, vector<1x16xf32>,
        %parallel_loop3A_168 = vector.shape_cast %parallel_loop3A_167 : vector<1x16xf32> to vector<16xf32>
        %parallel_loop3A_169 = arith.mulf %parallel_loop3A_168, %parallel_loop3A_132 : vector<16xf32>
        %parallel_loop3A_170 = arith.index_cast %parallel_loop3A_112 : i32 to index
        %parallel_loop3A_171 = arith.constant 208 : index
        %parallel_loop3A_172 = tpu.vector_load %arg11[%parallel_loop3A_170, %parallel_loop3A_171] {strides = array<i32>} : memref<64x256xf32, #tpu.memory_space<vmem>>, vector<1x16xf32>,
        %parallel_loop3A_173 = vector.shape_cast %parallel_loop3A_172 : vector<1x16xf32> to vector<16xf32>
        %parallel_loop3A_174 = arith.mulf %parallel_loop3A_173, %parallel_loop3A_136 : vector<16xf32>
        %parallel_loop3A_175 = arith.index_cast %parallel_loop3A_112 : i32 to index
        %parallel_loop3A_176 = arith.constant 224 : index
        %parallel_loop3A_177 = tpu.vector_load %arg11[%parallel_loop3A_175, %parallel_loop3A_176] {strides = array<i32>} : memref<64x256xf32, #tpu.memory_space<vmem>>, vector<1x16xf32>,
        %parallel_loop3A_178 = vector.shape_cast %parallel_loop3A_177 : vector<1x16xf32> to vector<16xf32>
        %parallel_loop3A_179 = arith.mulf %parallel_loop3A_178, %parallel_loop3A_140 : vector<16xf32>
        %parallel_loop3A_180 = arith.index_cast %parallel_loop3A_112 : i32 to index
        %parallel_loop3A_181 = arith.constant 240 : index
        %parallel_loop3A_182 = tpu.vector_load %arg11[%parallel_loop3A_180, %parallel_loop3A_181] {strides = array<i32>} : memref<64x256xf32, #tpu.memory_space<vmem>>, vector<1x16xf32>,
        %parallel_loop3A_183 = vector.shape_cast %parallel_loop3A_182 : vector<1x16xf32> to vector<16xf32>
        %parallel_loop3A_184 = arith.mulf %parallel_loop3A_183, %parallel_loop3A_144 : vector<16xf32>
        %parallel_loop3A_185 = arith.index_cast %parallel_loop3A_112 : i32 to index
        %parallel_loop3A_186 = arith.constant 0 : index
        %parallel_loop3A_187 = tpu.vector_load %arg11[%parallel_loop3A_185, %parallel_loop3A_186] {strides = array<i32>} : memref<64x256xf32, #tpu.memory_space<vmem>>, vector<1x16xf32>,
        %parallel_loop3A_188 = vector.shape_cast %parallel_loop3A_187 : vector<1x16xf32> to vector<16xf32>
        %parallel_loop3A_189 = arith.mulf %parallel_loop3A_188, %parallel_loop3A_116 : vector<16xf32>
        %parallel_loop3A_190 = arith.index_cast %parallel_loop3A_112 : i32 to index
        %parallel_loop3A_191 = arith.constant 16 : index
        %parallel_loop3A_192 = tpu.vector_load %arg11[%parallel_loop3A_190, %parallel_loop3A_191] {strides = array<i32>} : memref<64x256xf32, #tpu.memory_space<vmem>>, vector<1x16xf32>,
        %parallel_loop3A_193 = vector.shape_cast %parallel_loop3A_192 : vector<1x16xf32> to vector<16xf32>
        %parallel_loop3A_194 = arith.mulf %parallel_loop3A_193, %parallel_loop3A_120 : vector<16xf32>
        %parallel_loop3A_195 = arith.addf %parallel_loop3A_189, %parallel_loop3A_194 : vector<16xf32>
        %parallel_loop3A_196 = arith.index_cast %parallel_loop3A_112 : i32 to index
        %parallel_loop3A_197 = arith.constant 32 : index
        %parallel_loop3A_198 = tpu.vector_load %arg11[%parallel_loop3A_196, %parallel_loop3A_197] {strides = array<i32>} : memref<64x256xf32, #tpu.memory_space<vmem>>, vector<1x16xf32>,
        %parallel_loop3A_199 = vector.shape_cast %parallel_loop3A_198 : vector<1x16xf32> to vector<16xf32>
        %parallel_loop3A_200 = arith.mulf %parallel_loop3A_199, %parallel_loop3A_124 : vector<16xf32>
        %parallel_loop3A_201 = arith.addf %parallel_loop3A_195, %parallel_loop3A_200 : vector<16xf32>
        %parallel_loop3A_202 = arith.index_cast %parallel_loop3A_112 : i32 to index
        %parallel_loop3A_203 = arith.constant 48 : index
        %parallel_loop3A_204 = tpu.vector_load %arg11[%parallel_loop3A_202, %parallel_loop3A_203] {strides = array<i32>} : memref<64x256xf32, #tpu.memory_space<vmem>>, vector<1x16xf32>,
        %parallel_loop3A_205 = vector.shape_cast %parallel_loop3A_204 : vector<1x16xf32> to vector<16xf32>
        %parallel_loop3A_206 = arith.mulf %parallel_loop3A_205, %parallel_loop3A_128 : vector<16xf32>
        %parallel_loop3A_207 = arith.addf %parallel_loop3A_201, %parallel_loop3A_206 : vector<16xf32>
        %parallel_loop3A_208 = arith.index_cast %parallel_loop3A_112 : i32 to index
        %parallel_loop3A_209 = arith.constant 64 : index
        %parallel_loop3A_210 = tpu.vector_load %arg11[%parallel_loop3A_208, %parallel_loop3A_209] {strides = array<i32>} : memref<64x256xf32, #tpu.memory_space<vmem>>, vector<1x16xf32>,
        %parallel_loop3A_211 = vector.shape_cast %parallel_loop3A_210 : vector<1x16xf32> to vector<16xf32>
        %parallel_loop3A_212 = arith.mulf %parallel_loop3A_211, %parallel_loop3A_132 : vector<16xf32>
        %parallel_loop3A_213 = arith.addf %parallel_loop3A_207, %parallel_loop3A_212 : vector<16xf32>
        %parallel_loop3A_214 = arith.index_cast %parallel_loop3A_112 : i32 to index
        %parallel_loop3A_215 = arith.constant 80 : index
        %parallel_loop3A_216 = tpu.vector_load %arg11[%parallel_loop3A_214, %parallel_loop3A_215] {strides = array<i32>} : memref<64x256xf32, #tpu.memory_space<vmem>>, vector<1x16xf32>,
        %parallel_loop3A_217 = vector.shape_cast %parallel_loop3A_216 : vector<1x16xf32> to vector<16xf32>
        %parallel_loop3A_218 = arith.mulf %parallel_loop3A_217, %parallel_loop3A_136 : vector<16xf32>
        %parallel_loop3A_219 = arith.addf %parallel_loop3A_213, %parallel_loop3A_218 : vector<16xf32>
        %parallel_loop3A_220 = arith.index_cast %parallel_loop3A_112 : i32 to index
        %parallel_loop3A_221 = arith.constant 96 : index
        %parallel_loop3A_222 = tpu.vector_load %arg11[%parallel_loop3A_220, %parallel_loop3A_221] {strides = array<i32>} : memref<64x256xf32, #tpu.memory_space<vmem>>, vector<1x16xf32>,
        %parallel_loop3A_223 = vector.shape_cast %parallel_loop3A_222 : vector<1x16xf32> to vector<16xf32>
        %parallel_loop3A_224 = arith.mulf %parallel_loop3A_223, %parallel_loop3A_140 : vector<16xf32>
        %parallel_loop3A_225 = arith.addf %parallel_loop3A_219, %parallel_loop3A_224 : vector<16xf32>
        %parallel_loop3A_226 = arith.index_cast %parallel_loop3A_112 : i32 to index
        %parallel_loop3A_227 = arith.constant 112 : index
        %parallel_loop3A_228 = tpu.vector_load %arg11[%parallel_loop3A_226, %parallel_loop3A_227] {strides = array<i32>} : memref<64x256xf32, #tpu.memory_space<vmem>>, vector<1x16xf32>,
        %parallel_loop3A_229 = vector.shape_cast %parallel_loop3A_228 : vector<1x16xf32> to vector<16xf32>
        %parallel_loop3A_230 = arith.mulf %parallel_loop3A_229, %parallel_loop3A_144 : vector<16xf32>
        %parallel_loop3A_231 = arith.addf %parallel_loop3A_225, %parallel_loop3A_230 : vector<16xf32>
        %parallel_loop3A_232 = arith.constant 1 : i32
        %parallel_loop3A_233 = vector.broadcast %parallel_loop3A_232 : i32 to vector<16xi32>
        %parallel_loop3A_234 = arith.xori %iota3A, %parallel_loop3A_233 : vector<16xi32>
        %parallel_loop3A_235 = vector.shape_cast %parallel_loop3A_234 : vector<16xi32> to vector<16x1xi32>
        %parallel_loop3A_236 = vector.shape_cast %parallel_loop3A_235 : vector<16x1xi32> to vector<16xi32>
        %parallel_loop3A_237 = tpu.dynamic_gather %parallel_loop3A_231[%parallel_loop3A_236] in [0] : vector<16xf32>, vector<16xi32> -> vector<16xf32>
        %parallel_loop3A_238 = arith.addf %parallel_loop3A_231, %parallel_loop3A_237 : vector<16xf32>
        %parallel_loop3A_239 = arith.constant 2 : i32
        %parallel_loop3A_240 = vector.broadcast %parallel_loop3A_239 : i32 to vector<16xi32>
        %parallel_loop3A_241 = arith.xori %iota3A, %parallel_loop3A_240 : vector<16xi32>
        %parallel_loop3A_242 = vector.shape_cast %parallel_loop3A_241 : vector<16xi32> to vector<16x1xi32>
        %parallel_loop3A_243 = vector.shape_cast %parallel_loop3A_242 : vector<16x1xi32> to vector<16xi32>
        %parallel_loop3A_244 = tpu.dynamic_gather %parallel_loop3A_238[%parallel_loop3A_243] in [0] : vector<16xf32>, vector<16xi32> -> vector<16xf32>
        %parallel_loop3A_245 = arith.addf %parallel_loop3A_238, %parallel_loop3A_244 : vector<16xf32>
        %parallel_loop3A_246 = arith.constant 4 : i32
        %parallel_loop3A_247 = vector.broadcast %parallel_loop3A_246 : i32 to vector<16xi32>
        %parallel_loop3A_248 = arith.xori %iota3A, %parallel_loop3A_247 : vector<16xi32>
        %parallel_loop3A_249 = vector.shape_cast %parallel_loop3A_248 : vector<16xi32> to vector<16x1xi32>
        %parallel_loop3A_250 = vector.shape_cast %parallel_loop3A_249 : vector<16x1xi32> to vector<16xi32>
        %parallel_loop3A_251 = tpu.dynamic_gather %parallel_loop3A_245[%parallel_loop3A_250] in [0] : vector<16xf32>, vector<16xi32> -> vector<16xf32>
        %parallel_loop3A_252 = arith.addf %parallel_loop3A_245, %parallel_loop3A_251 : vector<16xf32>
        %parallel_loop3A_253 = arith.constant 8 : i32
        %parallel_loop3A_254 = vector.broadcast %parallel_loop3A_253 : i32 to vector<16xi32>
        %parallel_loop3A_255 = arith.xori %iota3A, %parallel_loop3A_254 : vector<16xi32>
        %parallel_loop3A_256 = vector.shape_cast %parallel_loop3A_255 : vector<16xi32> to vector<16x1xi32>
        %parallel_loop3A_257 = vector.shape_cast %parallel_loop3A_256 : vector<16x1xi32> to vector<16xi32>
        %parallel_loop3A_258 = tpu.dynamic_gather %parallel_loop3A_252[%parallel_loop3A_257] in [0] : vector<16xf32>, vector<16xi32> -> vector<16xf32>
        %parallel_loop3A_259 = arith.addf %parallel_loop3A_252, %parallel_loop3A_258 : vector<16xf32>
        %parallel_loop3A_260 = arith.constant 1.000000e+00 : f32
        %parallel_loop3A_261 = vector.broadcast %parallel_loop3A_260 : f32 to vector<16xf32>
        %parallel_loop3A_262 = arith.divf %parallel_loop3A_261, %parallel_loop3A_259 : vector<16xf32>
        %parallel_loop3A_263 = arith.mulf %parallel_loop3A_149, %parallel_loop3A_262 : vector<16xf32>
        %parallel_loop3A_264 = arith.index_cast %parallel_loop3A_112 : i32 to index
        %parallel_loop3A_265 = arith.constant 0 : index
        %parallel_loop3A_266 = tpu.vector_load %arg13[%parallel_loop3A_264, %parallel_loop3A_265] {strides = array<i32>} : memref<64x128xf32, #tpu.memory_space<vmem>>, vector<1x16xf32>,
        %parallel_loop3A_267 = vector.shape_cast %parallel_loop3A_266 : vector<1x16xf32> to vector<16xf32>
        %parallel_loop3A_268 = vector.shape_cast %parallel_loop3A_263 : vector<16xf32> to vector<1x16xf32>
        tpu.vector_store %arg13[%parallel_loop3A_264, %parallel_loop3A_265], %parallel_loop3A_268 {strides = array<i32>} : memref<64x128xf32, #tpu.memory_space<vmem>>, vector<1x16xf32>,
        %parallel_loop3A_269 = arith.mulf %parallel_loop3A_154, %parallel_loop3A_262 : vector<16xf32>
        %parallel_loop3A_270 = arith.index_cast %parallel_loop3A_112 : i32 to index
        %parallel_loop3A_271 = arith.constant 16 : index
        %parallel_loop3A_272 = tpu.vector_load %arg13[%parallel_loop3A_270, %parallel_loop3A_271] {strides = array<i32>} : memref<64x128xf32, #tpu.memory_space<vmem>>, vector<1x16xf32>,
        %parallel_loop3A_273 = vector.shape_cast %parallel_loop3A_272 : vector<1x16xf32> to vector<16xf32>
        %parallel_loop3A_274 = vector.shape_cast %parallel_loop3A_269 : vector<16xf32> to vector<1x16xf32>
        tpu.vector_store %arg13[%parallel_loop3A_270, %parallel_loop3A_271], %parallel_loop3A_274 {strides = array<i32>} : memref<64x128xf32, #tpu.memory_space<vmem>>, vector<1x16xf32>,
        %parallel_loop3A_275 = arith.mulf %parallel_loop3A_159, %parallel_loop3A_262 : vector<16xf32>
        %parallel_loop3A_276 = arith.index_cast %parallel_loop3A_112 : i32 to index
        %parallel_loop3A_277 = arith.constant 32 : index
        %parallel_loop3A_278 = tpu.vector_load %arg13[%parallel_loop3A_276, %parallel_loop3A_277] {strides = array<i32>} : memref<64x128xf32, #tpu.memory_space<vmem>>, vector<1x16xf32>,
        %parallel_loop3A_279 = vector.shape_cast %parallel_loop3A_278 : vector<1x16xf32> to vector<16xf32>
        %parallel_loop3A_280 = vector.shape_cast %parallel_loop3A_275 : vector<16xf32> to vector<1x16xf32>
        tpu.vector_store %arg13[%parallel_loop3A_276, %parallel_loop3A_277], %parallel_loop3A_280 {strides = array<i32>} : memref<64x128xf32, #tpu.memory_space<vmem>>, vector<1x16xf32>,
        %parallel_loop3A_281 = arith.mulf %parallel_loop3A_164, %parallel_loop3A_262 : vector<16xf32>
        %parallel_loop3A_282 = arith.index_cast %parallel_loop3A_112 : i32 to index
        %parallel_loop3A_283 = arith.constant 48 : index
        %parallel_loop3A_284 = tpu.vector_load %arg13[%parallel_loop3A_282, %parallel_loop3A_283] {strides = array<i32>} : memref<64x128xf32, #tpu.memory_space<vmem>>, vector<1x16xf32>,
        %parallel_loop3A_285 = vector.shape_cast %parallel_loop3A_284 : vector<1x16xf32> to vector<16xf32>
        %parallel_loop3A_286 = vector.shape_cast %parallel_loop3A_281 : vector<16xf32> to vector<1x16xf32>
        tpu.vector_store %arg13[%parallel_loop3A_282, %parallel_loop3A_283], %parallel_loop3A_286 {strides = array<i32>} : memref<64x128xf32, #tpu.memory_space<vmem>>, vector<1x16xf32>,
        %parallel_loop3A_287 = arith.mulf %parallel_loop3A_169, %parallel_loop3A_262 : vector<16xf32>
        %parallel_loop3A_288 = arith.index_cast %parallel_loop3A_112 : i32 to index
        %parallel_loop3A_289 = arith.constant 64 : index
        %parallel_loop3A_290 = tpu.vector_load %arg13[%parallel_loop3A_288, %parallel_loop3A_289] {strides = array<i32>} : memref<64x128xf32, #tpu.memory_space<vmem>>, vector<1x16xf32>,
        %parallel_loop3A_291 = vector.shape_cast %parallel_loop3A_290 : vector<1x16xf32> to vector<16xf32>
        %parallel_loop3A_292 = vector.shape_cast %parallel_loop3A_287 : vector<16xf32> to vector<1x16xf32>
        tpu.vector_store %arg13[%parallel_loop3A_288, %parallel_loop3A_289], %parallel_loop3A_292 {strides = array<i32>} : memref<64x128xf32, #tpu.memory_space<vmem>>, vector<1x16xf32>,
        %parallel_loop3A_293 = arith.mulf %parallel_loop3A_174, %parallel_loop3A_262 : vector<16xf32>
        %parallel_loop3A_294 = arith.index_cast %parallel_loop3A_112 : i32 to index
        %parallel_loop3A_295 = arith.constant 80 : index
        %parallel_loop3A_296 = tpu.vector_load %arg13[%parallel_loop3A_294, %parallel_loop3A_295] {strides = array<i32>} : memref<64x128xf32, #tpu.memory_space<vmem>>, vector<1x16xf32>,
        %parallel_loop3A_297 = vector.shape_cast %parallel_loop3A_296 : vector<1x16xf32> to vector<16xf32>
        %parallel_loop3A_298 = vector.shape_cast %parallel_loop3A_293 : vector<16xf32> to vector<1x16xf32>
        tpu.vector_store %arg13[%parallel_loop3A_294, %parallel_loop3A_295], %parallel_loop3A_298 {strides = array<i32>} : memref<64x128xf32, #tpu.memory_space<vmem>>, vector<1x16xf32>,
        %parallel_loop3A_299 = arith.mulf %parallel_loop3A_179, %parallel_loop3A_262 : vector<16xf32>
        %parallel_loop3A_300 = arith.index_cast %parallel_loop3A_112 : i32 to index
        %parallel_loop3A_301 = arith.constant 96 : index
        %parallel_loop3A_302 = tpu.vector_load %arg13[%parallel_loop3A_300, %parallel_loop3A_301] {strides = array<i32>} : memref<64x128xf32, #tpu.memory_space<vmem>>, vector<1x16xf32>,
        %parallel_loop3A_303 = vector.shape_cast %parallel_loop3A_302 : vector<1x16xf32> to vector<16xf32>
        %parallel_loop3A_304 = vector.shape_cast %parallel_loop3A_299 : vector<16xf32> to vector<1x16xf32>
        tpu.vector_store %arg13[%parallel_loop3A_300, %parallel_loop3A_301], %parallel_loop3A_304 {strides = array<i32>} : memref<64x128xf32, #tpu.memory_space<vmem>>, vector<1x16xf32>,
        %parallel_loop3A_305 = arith.mulf %parallel_loop3A_184, %parallel_loop3A_262 : vector<16xf32>
        %parallel_loop3A_306 = arith.index_cast %parallel_loop3A_112 : i32 to index
        %parallel_loop3A_307 = arith.constant 112 : index
        %parallel_loop3A_308 = tpu.vector_load %arg13[%parallel_loop3A_306, %parallel_loop3A_307] {strides = array<i32>} : memref<64x128xf32, #tpu.memory_space<vmem>>, vector<1x16xf32>,
        %parallel_loop3A_309 = vector.shape_cast %parallel_loop3A_308 : vector<1x16xf32> to vector<16xf32>
        %parallel_loop3A_310 = vector.shape_cast %parallel_loop3A_305 : vector<16xf32> to vector<1x16xf32>
        tpu.vector_store %arg13[%parallel_loop3A_306, %parallel_loop3A_307], %parallel_loop3A_310 {strides = array<i32>} : memref<64x128xf32, #tpu.memory_space<vmem>>, vector<1x16xf32>,
      } {sc.loop_unroll_factor = 1 : i64, sc.parallel_access}
      "tpu.region"() ({
        %run_scoped3A = tpu.sem_alloc : memref<!tpu.dma_semaphore, #tpu.memory_space<semaphore_mem>>
        %dma_start3A_112 = arith.constant 0 : i32
        %dma_start3A_113 = arith.constant 0 : i32
        %dma_start3A_114 = tpu.memref_slice %arg15[%dma_start3A_112, %dma_start3A_113] : memref<10000x128xf32, #tpu.memory_space<vmem_shared>> -> memref<10000x128xf32, #tpu.memory_space<vmem_shared>>
        tpu.enqueue_indirect_dma source(%arg13 : memref<64x128xf32, #tpu.memory_space<vmem>>) target(%dma_start3A_114 : memref<10000x128xf32, #tpu.memory_space<vmem_shared>>) offsets(%arg8 : memref<64xi32, #tpu.memory_space<vmem>>) semaphore(%run_scoped3A : memref<!tpu.dma_semaphore, #tpu.memory_space<semaphore_mem>>) {add = true}
        %dma_wait3A_115 = arith.constant 0 : i32
        %dma_wait3A_116 = arith.constant 0 : i32
        %dma_wait3A_117 = tpu.memref_slice %arg15[%dma_wait3A_115, %dma_wait3A_116] : memref<10000x128xf32, #tpu.memory_space<vmem_shared>> -> memref<10000x128xf32, #tpu.memory_space<vmem_shared>>
        tpu.wait_indirect_dma semaphore(%run_scoped3A : memref<!tpu.dma_semaphore, #tpu.memory_space<semaphore_mem>>) src(%arg13 : memref<64x128xf32, #tpu.memory_space<vmem>>) dst(%dma_wait3A_117 : memref<10000x128xf32, #tpu.memory_space<vmem_shared>>)
        tpu.yield
      }) : () -> ()
      %add3A_94 = arith.constant 2 : i32
      %add3A_95 = arith.addi %mul3A_51, %add3A_94 : i32
      %lt3A_96 = arith.cmpi slt, %add3A_95, %add3A_8 : i32
      %convert_element_type3A_97 = arith.extui %lt3A_96 : i1 to i32
      %cond3A_98 = arith.constant 0 : i32
      %cond3A_99 = arith.cmpi ne, %convert_element_type3A_97, %cond3A_98 : i32
      scf.if %cond3A_99 {
        %add3A_112 = arith.constant 2 : i32
        %add3A_113 = arith.addi %mul3A_51, %add3A_112 : i32
        %mul3A_114 = arith.constant 32 : i32
        %mul3A_115 = arith.muli %add3A_113, %mul3A_114 : i32
        %add3A_116 = arith.addi %add3A, %mul3A_115 : i32
        %mul3A_117 = arith.constant 64 : i32
        %mul3A_118 = arith.muli %add3A_116, %mul3A_117 : i32
        %dma_start3A_119 = tpu.memref_slice %arg4[%mul3A_118] : memref<640000xi32, #tpu.memory_space<hbm>> -> memref<64xi32, #tpu.memory_space<hbm>>
        %dma_start3A_120 = tpu.memref_slice %arg4[%mul3A_118] : memref<640000xi32, #tpu.memory_space<hbm>> -> memref<64xi32, #tpu.memory_space<hbm>>
        tpu.enqueue_dma source(%dma_start3A_120 : memref<64xi32, #tpu.memory_space<hbm>>) target(%arg7 : memref<64xi32, #tpu.memory_space<vmem>>) target_semaphore(%arg16 : memref<!tpu.dma_semaphore, #tpu.memory_space<semaphore_mem>>)
        %add3A_121 = arith.constant 320000 : i32
        %add3A_122 = arith.addi %add3A_121, %mul3A_118 : i32
        %dma_start3A_123 = tpu.memref_slice %arg4[%add3A_122] : memref<640000xi32, #tpu.memory_space<hbm>> -> memref<64xi32, #tpu.memory_space<hbm>>
        %dma_start3A_124 = tpu.memref_slice %arg4[%add3A_122] : memref<640000xi32, #tpu.memory_space<hbm>> -> memref<64xi32, #tpu.memory_space<hbm>>
        tpu.enqueue_dma source(%dma_start3A_124 : memref<64xi32, #tpu.memory_space<hbm>>) target(%arg8 : memref<64xi32, #tpu.memory_space<vmem>>) target_semaphore(%arg16 : memref<!tpu.dma_semaphore, #tpu.memory_space<semaphore_mem>>)
        %dma_wait3A_125 = tpu.memref_slice %arg4[%mul3A_118] : memref<640000xi32, #tpu.memory_space<hbm>> -> memref<64xi32, #tpu.memory_space<hbm>>
        %dma_wait3A_126 = tpu.memref_slice %arg4[%mul3A_118] : memref<640000xi32, #tpu.memory_space<hbm>> -> memref<64xi32, #tpu.memory_space<hbm>>
        tpu.wait_dma2 semaphore(%arg16 : memref<!tpu.dma_semaphore, #tpu.memory_space<semaphore_mem>>) src(%dma_wait3A_126 : memref<64xi32, #tpu.memory_space<hbm>>) dst(%arg7 : memref<64xi32, #tpu.memory_space<vmem>>)
        %dma_wait3A_127 = tpu.memref_slice %arg4[%add3A_122] : memref<640000xi32, #tpu.memory_space<hbm>> -> memref<64xi32, #tpu.memory_space<hbm>>
        %dma_wait3A_128 = tpu.memref_slice %arg4[%add3A_122] : memref<640000xi32, #tpu.memory_space<hbm>> -> memref<64xi32, #tpu.memory_space<hbm>>
        tpu.wait_dma2 semaphore(%arg16 : memref<!tpu.dma_semaphore, #tpu.memory_space<semaphore_mem>>) src(%dma_wait3A_128 : memref<64xi32, #tpu.memory_space<hbm>>) dst(%arg8 : memref<64xi32, #tpu.memory_space<vmem>>)
        %add3A_129 = arith.constant 2 : i32
        %add3A_130 = arith.addi %mul3A_51, %add3A_129 : i32
        %dma_start3A_131 = arith.constant 0 : i32
        %dma_start3A_132 = arith.constant 0 : i32
        %dma_start3A_133 = tpu.memref_slice %arg2[%dma_start3A_131, %dma_start3A_132] : memref<10000x256xf32, #tpu.memory_space<hbm>> -> memref<10000x256xf32, #tpu.memory_space<hbm>>
        tpu.enqueue_indirect_dma source(%dma_start3A_133 : memref<10000x256xf32, #tpu.memory_space<hbm>>) target(%arg11 : memref<64x256xf32, #tpu.memory_space<vmem>>) offsets(%arg7 : memref<64xi32, #tpu.memory_space<vmem>>) semaphore(%arg16 : memref<!tpu.dma_semaphore, #tpu.memory_space<semaphore_mem>>)
        %mul3A_134 = arith.constant 32 : i32
        %mul3A_135 = arith.muli %add3A_130, %mul3A_134 : i32
        %add3A_136 = arith.addi %add3A, %mul3A_135 : i32
        %mul3A_137 = arith.constant 64 : i32
        %mul3A_138 = arith.muli %add3A_136, %mul3A_137 : i32
        %dma_start3A_139 = arith.constant 0 : i32
        %dma_start3A_140 = tpu.memref_slice %arg3[%mul3A_138, %dma_start3A_139] : memref<320000x128xf32, #tpu.memory_space<hbm>> -> memref<64x128xf32, #tpu.memory_space<hbm>>
        %dma_start3A_141 = arith.constant 0 : i32
        %dma_start3A_142 = tpu.memref_slice %arg3[%mul3A_138, %dma_start3A_141] : memref<320000x128xf32, #tpu.memory_space<hbm>> -> memref<64x128xf32, #tpu.memory_space<hbm>>
        tpu.enqueue_dma source(%dma_start3A_142 : memref<64x128xf32, #tpu.memory_space<hbm>>) target(%arg13 : memref<64x128xf32, #tpu.memory_space<vmem>>) target_semaphore(%arg16 : memref<!tpu.dma_semaphore, #tpu.memory_space<semaphore_mem>>)
      } else {
      }
      %dma_wait3A_100 = arith.constant 0 : i32
      %dma_wait3A_101 = arith.constant 0 : i32
      %dma_wait3A_102 = tpu.memref_slice %arg2[%dma_wait3A_100, %dma_wait3A_101] : memref<10000x256xf32, #tpu.memory_space<hbm>> -> memref<10000x256xf32, #tpu.memory_space<hbm>>
      tpu.wait_indirect_dma semaphore(%arg17 : memref<!tpu.dma_semaphore, #tpu.memory_space<semaphore_mem>>) src(%dma_wait3A_102 : memref<10000x256xf32, #tpu.memory_space<hbm>>) dst(%arg12 : memref<64x256xf32, #tpu.memory_space<vmem>>)
      %dma_wait3A_103 = arith.constant 0 : i32
      %dma_wait3A_104 = arith.constant 0 : i32
      %dma_wait3A_105 = tpu.memref_slice %arg3[%dma_wait3A_103, %dma_wait3A_104] : memref<320000x128xf32, #tpu.memory_space<hbm>> -> memref<64x128xf32, #tpu.memory_space<hbm>>
      %dma_wait3A_106 = arith.constant 0 : i32
      %dma_wait3A_107 = arith.constant 0 : i32
      %dma_wait3A_108 = tpu.memref_slice %arg3[%dma_wait3A_106, %dma_wait3A_107] : memref<320000x128xf32, #tpu.memory_space<hbm>> -> memref<64x128xf32, #tpu.memory_space<hbm>>
      tpu.wait_dma2 semaphore(%arg17 : memref<!tpu.dma_semaphore, #tpu.memory_space<semaphore_mem>>) src(%dma_wait3A_108 : memref<64x128xf32, #tpu.memory_space<hbm>>) dst(%arg14 : memref<64x128xf32, #tpu.memory_space<vmem>>)
      %parallel_loop3A_109 = arith.constant 0 : i32
      %parallel_loop3A_110 = arith.constant 64 : i32
      %parallel_loop3A_111 = arith.constant 1 : i32
      scf.for %parallel_loop3A_112 = %parallel_loop3A_109 to %parallel_loop3A_110 step %parallel_loop3A_111  : i32 {
        %parallel_loop3A_113 = arith.index_cast %parallel_loop3A_112 : i32 to index
        %parallel_loop3A_114 = arith.constant 0 : index
        %parallel_loop3A_115 = tpu.vector_load %arg14[%parallel_loop3A_113, %parallel_loop3A_114] {strides = array<i32>} : memref<64x128xf32, #tpu.memory_space<vmem>>, vector<1x16xf32>,
        %parallel_loop3A_116 = vector.shape_cast %parallel_loop3A_115 : vector<1x16xf32> to vector<16xf32>
        %parallel_loop3A_117 = arith.index_cast %parallel_loop3A_112 : i32 to index
        %parallel_loop3A_118 = arith.constant 16 : index
        %parallel_loop3A_119 = tpu.vector_load %arg14[%parallel_loop3A_117, %parallel_loop3A_118] {strides = array<i32>} : memref<64x128xf32, #tpu.memory_space<vmem>>, vector<1x16xf32>,
        %parallel_loop3A_120 = vector.shape_cast %parallel_loop3A_119 : vector<1x16xf32> to vector<16xf32>
        %parallel_loop3A_121 = arith.index_cast %parallel_loop3A_112 : i32 to index
        %parallel_loop3A_122 = arith.constant 32 : index
        %parallel_loop3A_123 = tpu.vector_load %arg14[%parallel_loop3A_121, %parallel_loop3A_122] {strides = array<i32>} : memref<64x128xf32, #tpu.memory_space<vmem>>, vector<1x16xf32>,
        %parallel_loop3A_124 = vector.shape_cast %parallel_loop3A_123 : vector<1x16xf32> to vector<16xf32>
        %parallel_loop3A_125 = arith.index_cast %parallel_loop3A_112 : i32 to index
        %parallel_loop3A_126 = arith.constant 48 : index
        %parallel_loop3A_127 = tpu.vector_load %arg14[%parallel_loop3A_125, %parallel_loop3A_126] {strides = array<i32>} : memref<64x128xf32, #tpu.memory_space<vmem>>, vector<1x16xf32>,
        %parallel_loop3A_128 = vector.shape_cast %parallel_loop3A_127 : vector<1x16xf32> to vector<16xf32>
        %parallel_loop3A_129 = arith.index_cast %parallel_loop3A_112 : i32 to index
        %parallel_loop3A_130 = arith.constant 64 : index
        %parallel_loop3A_131 = tpu.vector_load %arg14[%parallel_loop3A_129, %parallel_loop3A_130] {strides = array<i32>} : memref<64x128xf32, #tpu.memory_space<vmem>>, vector<1x16xf32>,
        %parallel_loop3A_132 = vector.shape_cast %parallel_loop3A_131 : vector<1x16xf32> to vector<16xf32>
        %parallel_loop3A_133 = arith.index_cast %parallel_loop3A_112 : i32 to index
        %parallel_loop3A_134 = arith.constant 80 : index
        %parallel_loop3A_135 = tpu.vector_load %arg14[%parallel_loop3A_133, %parallel_loop3A_134] {strides = array<i32>} : memref<64x128xf32, #tpu.memory_space<vmem>>, vector<1x16xf32>,
        %parallel_loop3A_136 = vector.shape_cast %parallel_loop3A_135 : vector<1x16xf32> to vector<16xf32>
        %parallel_loop3A_137 = arith.index_cast %parallel_loop3A_112 : i32 to index
        %parallel_loop3A_138 = arith.constant 96 : index
        %parallel_loop3A_139 = tpu.vector_load %arg14[%parallel_loop3A_137, %parallel_loop3A_138] {strides = array<i32>} : memref<64x128xf32, #tpu.memory_space<vmem>>, vector<1x16xf32>,
        %parallel_loop3A_140 = vector.shape_cast %parallel_loop3A_139 : vector<1x16xf32> to vector<16xf32>
        %parallel_loop3A_141 = arith.index_cast %parallel_loop3A_112 : i32 to index
        %parallel_loop3A_142 = arith.constant 112 : index
        %parallel_loop3A_143 = tpu.vector_load %arg14[%parallel_loop3A_141, %parallel_loop3A_142] {strides = array<i32>} : memref<64x128xf32, #tpu.memory_space<vmem>>, vector<1x16xf32>,
        %parallel_loop3A_144 = vector.shape_cast %parallel_loop3A_143 : vector<1x16xf32> to vector<16xf32>
        %parallel_loop3A_145 = arith.index_cast %parallel_loop3A_112 : i32 to index
        %parallel_loop3A_146 = arith.constant 128 : index
        %parallel_loop3A_147 = tpu.vector_load %arg12[%parallel_loop3A_145, %parallel_loop3A_146] {strides = array<i32>} : memref<64x256xf32, #tpu.memory_space<vmem>>, vector<1x16xf32>,
        %parallel_loop3A_148 = vector.shape_cast %parallel_loop3A_147 : vector<1x16xf32> to vector<16xf32>
        %parallel_loop3A_149 = arith.mulf %parallel_loop3A_148, %parallel_loop3A_116 : vector<16xf32>
        %parallel_loop3A_150 = arith.index_cast %parallel_loop3A_112 : i32 to index
        %parallel_loop3A_151 = arith.constant 144 : index
        %parallel_loop3A_152 = tpu.vector_load %arg12[%parallel_loop3A_150, %parallel_loop3A_151] {strides = array<i32>} : memref<64x256xf32, #tpu.memory_space<vmem>>, vector<1x16xf32>,
        %parallel_loop3A_153 = vector.shape_cast %parallel_loop3A_152 : vector<1x16xf32> to vector<16xf32>
        %parallel_loop3A_154 = arith.mulf %parallel_loop3A_153, %parallel_loop3A_120 : vector<16xf32>
        %parallel_loop3A_155 = arith.index_cast %parallel_loop3A_112 : i32 to index
        %parallel_loop3A_156 = arith.constant 160 : index
        %parallel_loop3A_157 = tpu.vector_load %arg12[%parallel_loop3A_155, %parallel_loop3A_156] {strides = array<i32>} : memref<64x256xf32, #tpu.memory_space<vmem>>, vector<1x16xf32>,
        %parallel_loop3A_158 = vector.shape_cast %parallel_loop3A_157 : vector<1x16xf32> to vector<16xf32>
        %parallel_loop3A_159 = arith.mulf %parallel_loop3A_158, %parallel_loop3A_124 : vector<16xf32>
        %parallel_loop3A_160 = arith.index_cast %parallel_loop3A_112 : i32 to index
        %parallel_loop3A_161 = arith.constant 176 : index
        %parallel_loop3A_162 = tpu.vector_load %arg12[%parallel_loop3A_160, %parallel_loop3A_161] {strides = array<i32>} : memref<64x256xf32, #tpu.memory_space<vmem>>, vector<1x16xf32>,
        %parallel_loop3A_163 = vector.shape_cast %parallel_loop3A_162 : vector<1x16xf32> to vector<16xf32>
        %parallel_loop3A_164 = arith.mulf %parallel_loop3A_163, %parallel_loop3A_128 : vector<16xf32>
        %parallel_loop3A_165 = arith.index_cast %parallel_loop3A_112 : i32 to index
        %parallel_loop3A_166 = arith.constant 192 : index
        %parallel_loop3A_167 = tpu.vector_load %arg12[%parallel_loop3A_165, %parallel_loop3A_166] {strides = array<i32>} : memref<64x256xf32, #tpu.memory_space<vmem>>, vector<1x16xf32>,
        %parallel_loop3A_168 = vector.shape_cast %parallel_loop3A_167 : vector<1x16xf32> to vector<16xf32>
        %parallel_loop3A_169 = arith.mulf %parallel_loop3A_168, %parallel_loop3A_132 : vector<16xf32>
        %parallel_loop3A_170 = arith.index_cast %parallel_loop3A_112 : i32 to index
        %parallel_loop3A_171 = arith.constant 208 : index
        %parallel_loop3A_172 = tpu.vector_load %arg12[%parallel_loop3A_170, %parallel_loop3A_171] {strides = array<i32>} : memref<64x256xf32, #tpu.memory_space<vmem>>, vector<1x16xf32>,
        %parallel_loop3A_173 = vector.shape_cast %parallel_loop3A_172 : vector<1x16xf32> to vector<16xf32>
        %parallel_loop3A_174 = arith.mulf %parallel_loop3A_173, %parallel_loop3A_136 : vector<16xf32>
        %parallel_loop3A_175 = arith.index_cast %parallel_loop3A_112 : i32 to index
        %parallel_loop3A_176 = arith.constant 224 : index
        %parallel_loop3A_177 = tpu.vector_load %arg12[%parallel_loop3A_175, %parallel_loop3A_176] {strides = array<i32>} : memref<64x256xf32, #tpu.memory_space<vmem>>, vector<1x16xf32>,
        %parallel_loop3A_178 = vector.shape_cast %parallel_loop3A_177 : vector<1x16xf32> to vector<16xf32>
        %parallel_loop3A_179 = arith.mulf %parallel_loop3A_178, %parallel_loop3A_140 : vector<16xf32>
        %parallel_loop3A_180 = arith.index_cast %parallel_loop3A_112 : i32 to index
        %parallel_loop3A_181 = arith.constant 240 : index
        %parallel_loop3A_182 = tpu.vector_load %arg12[%parallel_loop3A_180, %parallel_loop3A_181] {strides = array<i32>} : memref<64x256xf32, #tpu.memory_space<vmem>>, vector<1x16xf32>,
        %parallel_loop3A_183 = vector.shape_cast %parallel_loop3A_182 : vector<1x16xf32> to vector<16xf32>
        %parallel_loop3A_184 = arith.mulf %parallel_loop3A_183, %parallel_loop3A_144 : vector<16xf32>
        %parallel_loop3A_185 = arith.index_cast %parallel_loop3A_112 : i32 to index
        %parallel_loop3A_186 = arith.constant 0 : index
        %parallel_loop3A_187 = tpu.vector_load %arg12[%parallel_loop3A_185, %parallel_loop3A_186] {strides = array<i32>} : memref<64x256xf32, #tpu.memory_space<vmem>>, vector<1x16xf32>,
        %parallel_loop3A_188 = vector.shape_cast %parallel_loop3A_187 : vector<1x16xf32> to vector<16xf32>
        %parallel_loop3A_189 = arith.mulf %parallel_loop3A_188, %parallel_loop3A_116 : vector<16xf32>
        %parallel_loop3A_190 = arith.index_cast %parallel_loop3A_112 : i32 to index
        %parallel_loop3A_191 = arith.constant 16 : index
        %parallel_loop3A_192 = tpu.vector_load %arg12[%parallel_loop3A_190, %parallel_loop3A_191] {strides = array<i32>} : memref<64x256xf32, #tpu.memory_space<vmem>>, vector<1x16xf32>,
        %parallel_loop3A_193 = vector.shape_cast %parallel_loop3A_192 : vector<1x16xf32> to vector<16xf32>
        %parallel_loop3A_194 = arith.mulf %parallel_loop3A_193, %parallel_loop3A_120 : vector<16xf32>
        %parallel_loop3A_195 = arith.addf %parallel_loop3A_189, %parallel_loop3A_194 : vector<16xf32>
        %parallel_loop3A_196 = arith.index_cast %parallel_loop3A_112 : i32 to index
        %parallel_loop3A_197 = arith.constant 32 : index
        %parallel_loop3A_198 = tpu.vector_load %arg12[%parallel_loop3A_196, %parallel_loop3A_197] {strides = array<i32>} : memref<64x256xf32, #tpu.memory_space<vmem>>, vector<1x16xf32>,
        %parallel_loop3A_199 = vector.shape_cast %parallel_loop3A_198 : vector<1x16xf32> to vector<16xf32>
        %parallel_loop3A_200 = arith.mulf %parallel_loop3A_199, %parallel_loop3A_124 : vector<16xf32>
        %parallel_loop3A_201 = arith.addf %parallel_loop3A_195, %parallel_loop3A_200 : vector<16xf32>
        %parallel_loop3A_202 = arith.index_cast %parallel_loop3A_112 : i32 to index
        %parallel_loop3A_203 = arith.constant 48 : index
        %parallel_loop3A_204 = tpu.vector_load %arg12[%parallel_loop3A_202, %parallel_loop3A_203] {strides = array<i32>} : memref<64x256xf32, #tpu.memory_space<vmem>>, vector<1x16xf32>,
        %parallel_loop3A_205 = vector.shape_cast %parallel_loop3A_204 : vector<1x16xf32> to vector<16xf32>
        %parallel_loop3A_206 = arith.mulf %parallel_loop3A_205, %parallel_loop3A_128 : vector<16xf32>
        %parallel_loop3A_207 = arith.addf %parallel_loop3A_201, %parallel_loop3A_206 : vector<16xf32>
        %parallel_loop3A_208 = arith.index_cast %parallel_loop3A_112 : i32 to index
        %parallel_loop3A_209 = arith.constant 64 : index
        %parallel_loop3A_210 = tpu.vector_load %arg12[%parallel_loop3A_208, %parallel_loop3A_209] {strides = array<i32>} : memref<64x256xf32, #tpu.memory_space<vmem>>, vector<1x16xf32>,
        %parallel_loop3A_211 = vector.shape_cast %parallel_loop3A_210 : vector<1x16xf32> to vector<16xf32>
        %parallel_loop3A_212 = arith.mulf %parallel_loop3A_211, %parallel_loop3A_132 : vector<16xf32>
        %parallel_loop3A_213 = arith.addf %parallel_loop3A_207, %parallel_loop3A_212 : vector<16xf32>
        %parallel_loop3A_214 = arith.index_cast %parallel_loop3A_112 : i32 to index
        %parallel_loop3A_215 = arith.constant 80 : index
        %parallel_loop3A_216 = tpu.vector_load %arg12[%parallel_loop3A_214, %parallel_loop3A_215] {strides = array<i32>} : memref<64x256xf32, #tpu.memory_space<vmem>>, vector<1x16xf32>,
        %parallel_loop3A_217 = vector.shape_cast %parallel_loop3A_216 : vector<1x16xf32> to vector<16xf32>
        %parallel_loop3A_218 = arith.mulf %parallel_loop3A_217, %parallel_loop3A_136 : vector<16xf32>
        %parallel_loop3A_219 = arith.addf %parallel_loop3A_213, %parallel_loop3A_218 : vector<16xf32>
        %parallel_loop3A_220 = arith.index_cast %parallel_loop3A_112 : i32 to index
        %parallel_loop3A_221 = arith.constant 96 : index
        %parallel_loop3A_222 = tpu.vector_load %arg12[%parallel_loop3A_220, %parallel_loop3A_221] {strides = array<i32>} : memref<64x256xf32, #tpu.memory_space<vmem>>, vector<1x16xf32>,
        %parallel_loop3A_223 = vector.shape_cast %parallel_loop3A_222 : vector<1x16xf32> to vector<16xf32>
        %parallel_loop3A_224 = arith.mulf %parallel_loop3A_223, %parallel_loop3A_140 : vector<16xf32>
        %parallel_loop3A_225 = arith.addf %parallel_loop3A_219, %parallel_loop3A_224 : vector<16xf32>
        %parallel_loop3A_226 = arith.index_cast %parallel_loop3A_112 : i32 to index
        %parallel_loop3A_227 = arith.constant 112 : index
        %parallel_loop3A_228 = tpu.vector_load %arg12[%parallel_loop3A_226, %parallel_loop3A_227] {strides = array<i32>} : memref<64x256xf32, #tpu.memory_space<vmem>>, vector<1x16xf32>,
        %parallel_loop3A_229 = vector.shape_cast %parallel_loop3A_228 : vector<1x16xf32> to vector<16xf32>
        %parallel_loop3A_230 = arith.mulf %parallel_loop3A_229, %parallel_loop3A_144 : vector<16xf32>
        %parallel_loop3A_231 = arith.addf %parallel_loop3A_225, %parallel_loop3A_230 : vector<16xf32>
        %parallel_loop3A_232 = arith.constant 1 : i32
        %parallel_loop3A_233 = vector.broadcast %parallel_loop3A_232 : i32 to vector<16xi32>
        %parallel_loop3A_234 = arith.xori %iota3A, %parallel_loop3A_233 : vector<16xi32>
        %parallel_loop3A_235 = vector.shape_cast %parallel_loop3A_234 : vector<16xi32> to vector<16x1xi32>
        %parallel_loop3A_236 = vector.shape_cast %parallel_loop3A_235 : vector<16x1xi32> to vector<16xi32>
        %parallel_loop3A_237 = tpu.dynamic_gather %parallel_loop3A_231[%parallel_loop3A_236] in [0] : vector<16xf32>, vector<16xi32> -> vector<16xf32>
        %parallel_loop3A_238 = arith.addf %parallel_loop3A_231, %parallel_loop3A_237 : vector<16xf32>
        %parallel_loop3A_239 = arith.constant 2 : i32
        %parallel_loop3A_240 = vector.broadcast %parallel_loop3A_239 : i32 to vector<16xi32>
        %parallel_loop3A_241 = arith.xori %iota3A, %parallel_loop3A_240 : vector<16xi32>
        %parallel_loop3A_242 = vector.shape_cast %parallel_loop3A_241 : vector<16xi32> to vector<16x1xi32>
        %parallel_loop3A_243 = vector.shape_cast %parallel_loop3A_242 : vector<16x1xi32> to vector<16xi32>
        %parallel_loop3A_244 = tpu.dynamic_gather %parallel_loop3A_238[%parallel_loop3A_243] in [0] : vector<16xf32>, vector<16xi32> -> vector<16xf32>
        %parallel_loop3A_245 = arith.addf %parallel_loop3A_238, %parallel_loop3A_244 : vector<16xf32>
        %parallel_loop3A_246 = arith.constant 4 : i32
        %parallel_loop3A_247 = vector.broadcast %parallel_loop3A_246 : i32 to vector<16xi32>
        %parallel_loop3A_248 = arith.xori %iota3A, %parallel_loop3A_247 : vector<16xi32>
        %parallel_loop3A_249 = vector.shape_cast %parallel_loop3A_248 : vector<16xi32> to vector<16x1xi32>
        %parallel_loop3A_250 = vector.shape_cast %parallel_loop3A_249 : vector<16x1xi32> to vector<16xi32>
        %parallel_loop3A_251 = tpu.dynamic_gather %parallel_loop3A_245[%parallel_loop3A_250] in [0] : vector<16xf32>, vector<16xi32> -> vector<16xf32>
        %parallel_loop3A_252 = arith.addf %parallel_loop3A_245, %parallel_loop3A_251 : vector<16xf32>
        %parallel_loop3A_253 = arith.constant 8 : i32
        %parallel_loop3A_254 = vector.broadcast %parallel_loop3A_253 : i32 to vector<16xi32>
        %parallel_loop3A_255 = arith.xori %iota3A, %parallel_loop3A_254 : vector<16xi32>
        %parallel_loop3A_256 = vector.shape_cast %parallel_loop3A_255 : vector<16xi32> to vector<16x1xi32>
        %parallel_loop3A_257 = vector.shape_cast %parallel_loop3A_256 : vector<16x1xi32> to vector<16xi32>
        %parallel_loop3A_258 = tpu.dynamic_gather %parallel_loop3A_252[%parallel_loop3A_257] in [0] : vector<16xf32>, vector<16xi32> -> vector<16xf32>
        %parallel_loop3A_259 = arith.addf %parallel_loop3A_252, %parallel_loop3A_258 : vector<16xf32>
        %parallel_loop3A_260 = arith.constant 1.000000e+00 : f32
        %parallel_loop3A_261 = vector.broadcast %parallel_loop3A_260 : f32 to vector<16xf32>
        %parallel_loop3A_262 = arith.divf %parallel_loop3A_261, %parallel_loop3A_259 : vector<16xf32>
        %parallel_loop3A_263 = arith.mulf %parallel_loop3A_149, %parallel_loop3A_262 : vector<16xf32>
        %parallel_loop3A_264 = arith.index_cast %parallel_loop3A_112 : i32 to index
        %parallel_loop3A_265 = arith.constant 0 : index
        %parallel_loop3A_266 = tpu.vector_load %arg14[%parallel_loop3A_264, %parallel_loop3A_265] {strides = array<i32>} : memref<64x128xf32, #tpu.memory_space<vmem>>, vector<1x16xf32>,
        %parallel_loop3A_267 = vector.shape_cast %parallel_loop3A_266 : vector<1x16xf32> to vector<16xf32>
        %parallel_loop3A_268 = vector.shape_cast %parallel_loop3A_263 : vector<16xf32> to vector<1x16xf32>
        tpu.vector_store %arg14[%parallel_loop3A_264, %parallel_loop3A_265], %parallel_loop3A_268 {strides = array<i32>} : memref<64x128xf32, #tpu.memory_space<vmem>>, vector<1x16xf32>,
        %parallel_loop3A_269 = arith.mulf %parallel_loop3A_154, %parallel_loop3A_262 : vector<16xf32>
        %parallel_loop3A_270 = arith.index_cast %parallel_loop3A_112 : i32 to index
        %parallel_loop3A_271 = arith.constant 16 : index
        %parallel_loop3A_272 = tpu.vector_load %arg14[%parallel_loop3A_270, %parallel_loop3A_271] {strides = array<i32>} : memref<64x128xf32, #tpu.memory_space<vmem>>, vector<1x16xf32>,
        %parallel_loop3A_273 = vector.shape_cast %parallel_loop3A_272 : vector<1x16xf32> to vector<16xf32>
        %parallel_loop3A_274 = vector.shape_cast %parallel_loop3A_269 : vector<16xf32> to vector<1x16xf32>
        tpu.vector_store %arg14[%parallel_loop3A_270, %parallel_loop3A_271], %parallel_loop3A_274 {strides = array<i32>} : memref<64x128xf32, #tpu.memory_space<vmem>>, vector<1x16xf32>,
        %parallel_loop3A_275 = arith.mulf %parallel_loop3A_159, %parallel_loop3A_262 : vector<16xf32>
        %parallel_loop3A_276 = arith.index_cast %parallel_loop3A_112 : i32 to index
        %parallel_loop3A_277 = arith.constant 32 : index
        %parallel_loop3A_278 = tpu.vector_load %arg14[%parallel_loop3A_276, %parallel_loop3A_277] {strides = array<i32>} : memref<64x128xf32, #tpu.memory_space<vmem>>, vector<1x16xf32>,
        %parallel_loop3A_279 = vector.shape_cast %parallel_loop3A_278 : vector<1x16xf32> to vector<16xf32>
        %parallel_loop3A_280 = vector.shape_cast %parallel_loop3A_275 : vector<16xf32> to vector<1x16xf32>
        tpu.vector_store %arg14[%parallel_loop3A_276, %parallel_loop3A_277], %parallel_loop3A_280 {strides = array<i32>} : memref<64x128xf32, #tpu.memory_space<vmem>>, vector<1x16xf32>,
        %parallel_loop3A_281 = arith.mulf %parallel_loop3A_164, %parallel_loop3A_262 : vector<16xf32>
        %parallel_loop3A_282 = arith.index_cast %parallel_loop3A_112 : i32 to index
        %parallel_loop3A_283 = arith.constant 48 : index
        %parallel_loop3A_284 = tpu.vector_load %arg14[%parallel_loop3A_282, %parallel_loop3A_283] {strides = array<i32>} : memref<64x128xf32, #tpu.memory_space<vmem>>, vector<1x16xf32>,
        %parallel_loop3A_285 = vector.shape_cast %parallel_loop3A_284 : vector<1x16xf32> to vector<16xf32>
        %parallel_loop3A_286 = vector.shape_cast %parallel_loop3A_281 : vector<16xf32> to vector<1x16xf32>
        tpu.vector_store %arg14[%parallel_loop3A_282, %parallel_loop3A_283], %parallel_loop3A_286 {strides = array<i32>} : memref<64x128xf32, #tpu.memory_space<vmem>>, vector<1x16xf32>,
        %parallel_loop3A_287 = arith.mulf %parallel_loop3A_169, %parallel_loop3A_262 : vector<16xf32>
        %parallel_loop3A_288 = arith.index_cast %parallel_loop3A_112 : i32 to index
        %parallel_loop3A_289 = arith.constant 64 : index
        %parallel_loop3A_290 = tpu.vector_load %arg14[%parallel_loop3A_288, %parallel_loop3A_289] {strides = array<i32>} : memref<64x128xf32, #tpu.memory_space<vmem>>, vector<1x16xf32>,
        %parallel_loop3A_291 = vector.shape_cast %parallel_loop3A_290 : vector<1x16xf32> to vector<16xf32>
        %parallel_loop3A_292 = vector.shape_cast %parallel_loop3A_287 : vector<16xf32> to vector<1x16xf32>
        tpu.vector_store %arg14[%parallel_loop3A_288, %parallel_loop3A_289], %parallel_loop3A_292 {strides = array<i32>} : memref<64x128xf32, #tpu.memory_space<vmem>>, vector<1x16xf32>,
        %parallel_loop3A_293 = arith.mulf %parallel_loop3A_174, %parallel_loop3A_262 : vector<16xf32>
        %parallel_loop3A_294 = arith.index_cast %parallel_loop3A_112 : i32 to index
        %parallel_loop3A_295 = arith.constant 80 : index
        %parallel_loop3A_296 = tpu.vector_load %arg14[%parallel_loop3A_294, %parallel_loop3A_295] {strides = array<i32>} : memref<64x128xf32, #tpu.memory_space<vmem>>, vector<1x16xf32>,
        %parallel_loop3A_297 = vector.shape_cast %parallel_loop3A_296 : vector<1x16xf32> to vector<16xf32>
        %parallel_loop3A_298 = vector.shape_cast %parallel_loop3A_293 : vector<16xf32> to vector<1x16xf32>
        tpu.vector_store %arg14[%parallel_loop3A_294, %parallel_loop3A_295], %parallel_loop3A_298 {strides = array<i32>} : memref<64x128xf32, #tpu.memory_space<vmem>>, vector<1x16xf32>,
        %parallel_loop3A_299 = arith.mulf %parallel_loop3A_179, %parallel_loop3A_262 : vector<16xf32>
        %parallel_loop3A_300 = arith.index_cast %parallel_loop3A_112 : i32 to index
        %parallel_loop3A_301 = arith.constant 96 : index
        %parallel_loop3A_302 = tpu.vector_load %arg14[%parallel_loop3A_300, %parallel_loop3A_301] {strides = array<i32>} : memref<64x128xf32, #tpu.memory_space<vmem>>, vector<1x16xf32>,
        %parallel_loop3A_303 = vector.shape_cast %parallel_loop3A_302 : vector<1x16xf32> to vector<16xf32>
        %parallel_loop3A_304 = vector.shape_cast %parallel_loop3A_299 : vector<16xf32> to vector<1x16xf32>
        tpu.vector_store %arg14[%parallel_loop3A_300, %parallel_loop3A_301], %parallel_loop3A_304 {strides = array<i32>} : memref<64x128xf32, #tpu.memory_space<vmem>>, vector<1x16xf32>,
        %parallel_loop3A_305 = arith.mulf %parallel_loop3A_184, %parallel_loop3A_262 : vector<16xf32>
        %parallel_loop3A_306 = arith.index_cast %parallel_loop3A_112 : i32 to index
        %parallel_loop3A_307 = arith.constant 112 : index
        %parallel_loop3A_308 = tpu.vector_load %arg14[%parallel_loop3A_306, %parallel_loop3A_307] {strides = array<i32>} : memref<64x128xf32, #tpu.memory_space<vmem>>, vector<1x16xf32>,
        %parallel_loop3A_309 = vector.shape_cast %parallel_loop3A_308 : vector<1x16xf32> to vector<16xf32>
        %parallel_loop3A_310 = vector.shape_cast %parallel_loop3A_305 : vector<16xf32> to vector<1x16xf32>
        tpu.vector_store %arg14[%parallel_loop3A_306, %parallel_loop3A_307], %parallel_loop3A_310 {strides = array<i32>} : memref<64x128xf32, #tpu.memory_space<vmem>>, vector<1x16xf32>,
      } {sc.loop_unroll_factor = 1 : i64, sc.parallel_access}
      "tpu.region"() ({
        %run_scoped3A = tpu.sem_alloc : memref<!tpu.dma_semaphore, #tpu.memory_space<semaphore_mem>>
        %dma_start3A_112 = arith.constant 0 : i32
        %dma_start3A_113 = arith.constant 0 : i32
        %dma_start3A_114 = tpu.memref_slice %arg15[%dma_start3A_112, %dma_start3A_113] : memref<10000x128xf32, #tpu.memory_space<vmem_shared>> -> memref<10000x128xf32, #tpu.memory_space<vmem_shared>>
        tpu.enqueue_indirect_dma source(%arg14 : memref<64x128xf32, #tpu.memory_space<vmem>>) target(%dma_start3A_114 : memref<10000x128xf32, #tpu.memory_space<vmem_shared>>) offsets(%arg10 : memref<64xi32, #tpu.memory_space<vmem>>) semaphore(%run_scoped3A : memref<!tpu.dma_semaphore, #tpu.memory_space<semaphore_mem>>) {add = true}
        %dma_wait3A_115 = arith.constant 0 : i32
        %dma_wait3A_116 = arith.constant 0 : i32
        %dma_wait3A_117 = tpu.memref_slice %arg15[%dma_wait3A_115, %dma_wait3A_116] : memref<10000x128xf32, #tpu.memory_space<vmem_shared>> -> memref<10000x128xf32, #tpu.memory_space<vmem_shared>>
        tpu.wait_indirect_dma semaphore(%run_scoped3A : memref<!tpu.dma_semaphore, #tpu.memory_space<semaphore_mem>>) src(%arg14 : memref<64x128xf32, #tpu.memory_space<vmem>>) dst(%dma_wait3A_117 : memref<10000x128xf32, #tpu.memory_space<vmem_shared>>)
        tpu.yield
      }) : () -> ()
    }
    %scan3A_36 = arith.constant 78 : i32
    %gt3A = arith.constant 156 : i32
    %gt3A_37 = arith.cmpi sgt, %add3A_8, %gt3A : i32
    %convert_element_type3A_38 = arith.extui %gt3A_37 : i1 to i32
    %cond3A_39 = arith.constant 0 : i32
    %cond3A_40 = arith.cmpi ne, %convert_element_type3A_38, %cond3A_39 : i32
    scf.if %cond3A_40 {
      %dma_wait3A_49 = arith.constant 0 : i32
      %dma_wait3A_50 = arith.constant 0 : i32
      %dma_wait3A_51 = tpu.memref_slice %arg2[%dma_wait3A_49, %dma_wait3A_50] : memref<10000x256xf32, #tpu.memory_space<hbm>> -> memref<10000x256xf32, #tpu.memory_space<hbm>>
      tpu.wait_indirect_dma semaphore(%arg16 : memref<!tpu.dma_semaphore, #tpu.memory_space<semaphore_mem>>) src(%dma_wait3A_51 : memref<10000x256xf32, #tpu.memory_space<hbm>>) dst(%arg11 : memref<64x256xf32, #tpu.memory_space<vmem>>)
      %dma_wait3A_52 = arith.constant 0 : i32
      %dma_wait3A_53 = arith.constant 0 : i32
      %dma_wait3A_54 = tpu.memref_slice %arg3[%dma_wait3A_52, %dma_wait3A_53] : memref<320000x128xf32, #tpu.memory_space<hbm>> -> memref<64x128xf32, #tpu.memory_space<hbm>>
      %dma_wait3A_55 = arith.constant 0 : i32
      %dma_wait3A_56 = arith.constant 0 : i32
      %dma_wait3A_57 = tpu.memref_slice %arg3[%dma_wait3A_55, %dma_wait3A_56] : memref<320000x128xf32, #tpu.memory_space<hbm>> -> memref<64x128xf32, #tpu.memory_space<hbm>>
      tpu.wait_dma2 semaphore(%arg16 : memref<!tpu.dma_semaphore, #tpu.memory_space<semaphore_mem>>) src(%dma_wait3A_57 : memref<64x128xf32, #tpu.memory_space<hbm>>) dst(%arg13 : memref<64x128xf32, #tpu.memory_space<vmem>>)
      %parallel_loop3A = arith.constant 0 : i32
      %parallel_loop3A_58 = arith.constant 64 : i32
      %parallel_loop3A_59 = arith.constant 1 : i32
      scf.for %parallel_loop3A_60 = %parallel_loop3A to %parallel_loop3A_58 step %parallel_loop3A_59  : i32 {
        %parallel_loop3A_61 = arith.index_cast %parallel_loop3A_60 : i32 to index
        %parallel_loop3A_62 = arith.constant 0 : index
        %parallel_loop3A_63 = tpu.vector_load %arg13[%parallel_loop3A_61, %parallel_loop3A_62] {strides = array<i32>} : memref<64x128xf32, #tpu.memory_space<vmem>>, vector<1x16xf32>,
        %parallel_loop3A_64 = vector.shape_cast %parallel_loop3A_63 : vector<1x16xf32> to vector<16xf32>
        %parallel_loop3A_65 = arith.index_cast %parallel_loop3A_60 : i32 to index
        %parallel_loop3A_66 = arith.constant 16 : index
        %parallel_loop3A_67 = tpu.vector_load %arg13[%parallel_loop3A_65, %parallel_loop3A_66] {strides = array<i32>} : memref<64x128xf32, #tpu.memory_space<vmem>>, vector<1x16xf32>,
        %parallel_loop3A_68 = vector.shape_cast %parallel_loop3A_67 : vector<1x16xf32> to vector<16xf32>
        %parallel_loop3A_69 = arith.index_cast %parallel_loop3A_60 : i32 to index
        %parallel_loop3A_70 = arith.constant 32 : index
        %parallel_loop3A_71 = tpu.vector_load %arg13[%parallel_loop3A_69, %parallel_loop3A_70] {strides = array<i32>} : memref<64x128xf32, #tpu.memory_space<vmem>>, vector<1x16xf32>,
        %parallel_loop3A_72 = vector.shape_cast %parallel_loop3A_71 : vector<1x16xf32> to vector<16xf32>
        %parallel_loop3A_73 = arith.index_cast %parallel_loop3A_60 : i32 to index
        %parallel_loop3A_74 = arith.constant 48 : index
        %parallel_loop3A_75 = tpu.vector_load %arg13[%parallel_loop3A_73, %parallel_loop3A_74] {strides = array<i32>} : memref<64x128xf32, #tpu.memory_space<vmem>>, vector<1x16xf32>,
        %parallel_loop3A_76 = vector.shape_cast %parallel_loop3A_75 : vector<1x16xf32> to vector<16xf32>
        %parallel_loop3A_77 = arith.index_cast %parallel_loop3A_60 : i32 to index
        %parallel_loop3A_78 = arith.constant 64 : index
        %parallel_loop3A_79 = tpu.vector_load %arg13[%parallel_loop3A_77, %parallel_loop3A_78] {strides = array<i32>} : memref<64x128xf32, #tpu.memory_space<vmem>>, vector<1x16xf32>,
        %parallel_loop3A_80 = vector.shape_cast %parallel_loop3A_79 : vector<1x16xf32> to vector<16xf32>
        %parallel_loop3A_81 = arith.index_cast %parallel_loop3A_60 : i32 to index
        %parallel_loop3A_82 = arith.constant 80 : index
        %parallel_loop3A_83 = tpu.vector_load %arg13[%parallel_loop3A_81, %parallel_loop3A_82] {strides = array<i32>} : memref<64x128xf32, #tpu.memory_space<vmem>>, vector<1x16xf32>,
        %parallel_loop3A_84 = vector.shape_cast %parallel_loop3A_83 : vector<1x16xf32> to vector<16xf32>
        %parallel_loop3A_85 = arith.index_cast %parallel_loop3A_60 : i32 to index
        %parallel_loop3A_86 = arith.constant 96 : index
        %parallel_loop3A_87 = tpu.vector_load %arg13[%parallel_loop3A_85, %parallel_loop3A_86] {strides = array<i32>} : memref<64x128xf32, #tpu.memory_space<vmem>>, vector<1x16xf32>,
        %parallel_loop3A_88 = vector.shape_cast %parallel_loop3A_87 : vector<1x16xf32> to vector<16xf32>
        %parallel_loop3A_89 = arith.index_cast %parallel_loop3A_60 : i32 to index
        %parallel_loop3A_90 = arith.constant 112 : index
        %parallel_loop3A_91 = tpu.vector_load %arg13[%parallel_loop3A_89, %parallel_loop3A_90] {strides = array<i32>} : memref<64x128xf32, #tpu.memory_space<vmem>>, vector<1x16xf32>,
        %parallel_loop3A_92 = vector.shape_cast %parallel_loop3A_91 : vector<1x16xf32> to vector<16xf32>
        %parallel_loop3A_93 = arith.index_cast %parallel_loop3A_60 : i32 to index
        %parallel_loop3A_94 = arith.constant 128 : index
        %parallel_loop3A_95 = tpu.vector_load %arg11[%parallel_loop3A_93, %parallel_loop3A_94] {strides = array<i32>} : memref<64x256xf32, #tpu.memory_space<vmem>>, vector<1x16xf32>,
        %parallel_loop3A_96 = vector.shape_cast %parallel_loop3A_95 : vector<1x16xf32> to vector<16xf32>
        %parallel_loop3A_97 = arith.mulf %parallel_loop3A_96, %parallel_loop3A_64 : vector<16xf32>
        %parallel_loop3A_98 = arith.index_cast %parallel_loop3A_60 : i32 to index
        %parallel_loop3A_99 = arith.constant 144 : index
        %parallel_loop3A_100 = tpu.vector_load %arg11[%parallel_loop3A_98, %parallel_loop3A_99] {strides = array<i32>} : memref<64x256xf32, #tpu.memory_space<vmem>>, vector<1x16xf32>,
        %parallel_loop3A_101 = vector.shape_cast %parallel_loop3A_100 : vector<1x16xf32> to vector<16xf32>
        %parallel_loop3A_102 = arith.mulf %parallel_loop3A_101, %parallel_loop3A_68 : vector<16xf32>
        %parallel_loop3A_103 = arith.index_cast %parallel_loop3A_60 : i32 to index
        %parallel_loop3A_104 = arith.constant 160 : index
        %parallel_loop3A_105 = tpu.vector_load %arg11[%parallel_loop3A_103, %parallel_loop3A_104] {strides = array<i32>} : memref<64x256xf32, #tpu.memory_space<vmem>>, vector<1x16xf32>,
        %parallel_loop3A_106 = vector.shape_cast %parallel_loop3A_105 : vector<1x16xf32> to vector<16xf32>
        %parallel_loop3A_107 = arith.mulf %parallel_loop3A_106, %parallel_loop3A_72 : vector<16xf32>
        %parallel_loop3A_108 = arith.index_cast %parallel_loop3A_60 : i32 to index
        %parallel_loop3A_109 = arith.constant 176 : index
        %parallel_loop3A_110 = tpu.vector_load %arg11[%parallel_loop3A_108, %parallel_loop3A_109] {strides = array<i32>} : memref<64x256xf32, #tpu.memory_space<vmem>>, vector<1x16xf32>,
        %parallel_loop3A_111 = vector.shape_cast %parallel_loop3A_110 : vector<1x16xf32> to vector<16xf32>
        %parallel_loop3A_112 = arith.mulf %parallel_loop3A_111, %parallel_loop3A_76 : vector<16xf32>
        %parallel_loop3A_113 = arith.index_cast %parallel_loop3A_60 : i32 to index
        %parallel_loop3A_114 = arith.constant 192 : index
        %parallel_loop3A_115 = tpu.vector_load %arg11[%parallel_loop3A_113, %parallel_loop3A_114] {strides = array<i32>} : memref<64x256xf32, #tpu.memory_space<vmem>>, vector<1x16xf32>,
        %parallel_loop3A_116 = vector.shape_cast %parallel_loop3A_115 : vector<1x16xf32> to vector<16xf32>
        %parallel_loop3A_117 = arith.mulf %parallel_loop3A_116, %parallel_loop3A_80 : vector<16xf32>
        %parallel_loop3A_118 = arith.index_cast %parallel_loop3A_60 : i32 to index
        %parallel_loop3A_119 = arith.constant 208 : index
        %parallel_loop3A_120 = tpu.vector_load %arg11[%parallel_loop3A_118, %parallel_loop3A_119] {strides = array<i32>} : memref<64x256xf32, #tpu.memory_space<vmem>>, vector<1x16xf32>,
        %parallel_loop3A_121 = vector.shape_cast %parallel_loop3A_120 : vector<1x16xf32> to vector<16xf32>
        %parallel_loop3A_122 = arith.mulf %parallel_loop3A_121, %parallel_loop3A_84 : vector<16xf32>
        %parallel_loop3A_123 = arith.index_cast %parallel_loop3A_60 : i32 to index
        %parallel_loop3A_124 = arith.constant 224 : index
        %parallel_loop3A_125 = tpu.vector_load %arg11[%parallel_loop3A_123, %parallel_loop3A_124] {strides = array<i32>} : memref<64x256xf32, #tpu.memory_space<vmem>>, vector<1x16xf32>,
        %parallel_loop3A_126 = vector.shape_cast %parallel_loop3A_125 : vector<1x16xf32> to vector<16xf32>
        %parallel_loop3A_127 = arith.mulf %parallel_loop3A_126, %parallel_loop3A_88 : vector<16xf32>
        %parallel_loop3A_128 = arith.index_cast %parallel_loop3A_60 : i32 to index
        %parallel_loop3A_129 = arith.constant 240 : index
        %parallel_loop3A_130 = tpu.vector_load %arg11[%parallel_loop3A_128, %parallel_loop3A_129] {strides = array<i32>} : memref<64x256xf32, #tpu.memory_space<vmem>>, vector<1x16xf32>,
        %parallel_loop3A_131 = vector.shape_cast %parallel_loop3A_130 : vector<1x16xf32> to vector<16xf32>
        %parallel_loop3A_132 = arith.mulf %parallel_loop3A_131, %parallel_loop3A_92 : vector<16xf32>
        %parallel_loop3A_133 = arith.index_cast %parallel_loop3A_60 : i32 to index
        %parallel_loop3A_134 = arith.constant 0 : index
        %parallel_loop3A_135 = tpu.vector_load %arg11[%parallel_loop3A_133, %parallel_loop3A_134] {strides = array<i32>} : memref<64x256xf32, #tpu.memory_space<vmem>>, vector<1x16xf32>,
        %parallel_loop3A_136 = vector.shape_cast %parallel_loop3A_135 : vector<1x16xf32> to vector<16xf32>
        %parallel_loop3A_137 = arith.mulf %parallel_loop3A_136, %parallel_loop3A_64 : vector<16xf32>
        %parallel_loop3A_138 = arith.index_cast %parallel_loop3A_60 : i32 to index
        %parallel_loop3A_139 = arith.constant 16 : index
        %parallel_loop3A_140 = tpu.vector_load %arg11[%parallel_loop3A_138, %parallel_loop3A_139] {strides = array<i32>} : memref<64x256xf32, #tpu.memory_space<vmem>>, vector<1x16xf32>,
        %parallel_loop3A_141 = vector.shape_cast %parallel_loop3A_140 : vector<1x16xf32> to vector<16xf32>
        %parallel_loop3A_142 = arith.mulf %parallel_loop3A_141, %parallel_loop3A_68 : vector<16xf32>
        %parallel_loop3A_143 = arith.addf %parallel_loop3A_137, %parallel_loop3A_142 : vector<16xf32>
        %parallel_loop3A_144 = arith.index_cast %parallel_loop3A_60 : i32 to index
        %parallel_loop3A_145 = arith.constant 32 : index
        %parallel_loop3A_146 = tpu.vector_load %arg11[%parallel_loop3A_144, %parallel_loop3A_145] {strides = array<i32>} : memref<64x256xf32, #tpu.memory_space<vmem>>, vector<1x16xf32>,
        %parallel_loop3A_147 = vector.shape_cast %parallel_loop3A_146 : vector<1x16xf32> to vector<16xf32>
        %parallel_loop3A_148 = arith.mulf %parallel_loop3A_147, %parallel_loop3A_72 : vector<16xf32>
        %parallel_loop3A_149 = arith.addf %parallel_loop3A_143, %parallel_loop3A_148 : vector<16xf32>
        %parallel_loop3A_150 = arith.index_cast %parallel_loop3A_60 : i32 to index
        %parallel_loop3A_151 = arith.constant 48 : index
        %parallel_loop3A_152 = tpu.vector_load %arg11[%parallel_loop3A_150, %parallel_loop3A_151] {strides = array<i32>} : memref<64x256xf32, #tpu.memory_space<vmem>>, vector<1x16xf32>,
        %parallel_loop3A_153 = vector.shape_cast %parallel_loop3A_152 : vector<1x16xf32> to vector<16xf32>
        %parallel_loop3A_154 = arith.mulf %parallel_loop3A_153, %parallel_loop3A_76 : vector<16xf32>
        %parallel_loop3A_155 = arith.addf %parallel_loop3A_149, %parallel_loop3A_154 : vector<16xf32>
        %parallel_loop3A_156 = arith.index_cast %parallel_loop3A_60 : i32 to index
        %parallel_loop3A_157 = arith.constant 64 : index
        %parallel_loop3A_158 = tpu.vector_load %arg11[%parallel_loop3A_156, %parallel_loop3A_157] {strides = array<i32>} : memref<64x256xf32, #tpu.memory_space<vmem>>, vector<1x16xf32>,
        %parallel_loop3A_159 = vector.shape_cast %parallel_loop3A_158 : vector<1x16xf32> to vector<16xf32>
        %parallel_loop3A_160 = arith.mulf %parallel_loop3A_159, %parallel_loop3A_80 : vector<16xf32>
        %parallel_loop3A_161 = arith.addf %parallel_loop3A_155, %parallel_loop3A_160 : vector<16xf32>
        %parallel_loop3A_162 = arith.index_cast %parallel_loop3A_60 : i32 to index
        %parallel_loop3A_163 = arith.constant 80 : index
        %parallel_loop3A_164 = tpu.vector_load %arg11[%parallel_loop3A_162, %parallel_loop3A_163] {strides = array<i32>} : memref<64x256xf32, #tpu.memory_space<vmem>>, vector<1x16xf32>,
        %parallel_loop3A_165 = vector.shape_cast %parallel_loop3A_164 : vector<1x16xf32> to vector<16xf32>
        %parallel_loop3A_166 = arith.mulf %parallel_loop3A_165, %parallel_loop3A_84 : vector<16xf32>
        %parallel_loop3A_167 = arith.addf %parallel_loop3A_161, %parallel_loop3A_166 : vector<16xf32>
        %parallel_loop3A_168 = arith.index_cast %parallel_loop3A_60 : i32 to index
        %parallel_loop3A_169 = arith.constant 96 : index
        %parallel_loop3A_170 = tpu.vector_load %arg11[%parallel_loop3A_168, %parallel_loop3A_169] {strides = array<i32>} : memref<64x256xf32, #tpu.memory_space<vmem>>, vector<1x16xf32>,
        %parallel_loop3A_171 = vector.shape_cast %parallel_loop3A_170 : vector<1x16xf32> to vector<16xf32>
        %parallel_loop3A_172 = arith.mulf %parallel_loop3A_171, %parallel_loop3A_88 : vector<16xf32>
        %parallel_loop3A_173 = arith.addf %parallel_loop3A_167, %parallel_loop3A_172 : vector<16xf32>
        %parallel_loop3A_174 = arith.index_cast %parallel_loop3A_60 : i32 to index
        %parallel_loop3A_175 = arith.constant 112 : index
        %parallel_loop3A_176 = tpu.vector_load %arg11[%parallel_loop3A_174, %parallel_loop3A_175] {strides = array<i32>} : memref<64x256xf32, #tpu.memory_space<vmem>>, vector<1x16xf32>,
        %parallel_loop3A_177 = vector.shape_cast %parallel_loop3A_176 : vector<1x16xf32> to vector<16xf32>
        %parallel_loop3A_178 = arith.mulf %parallel_loop3A_177, %parallel_loop3A_92 : vector<16xf32>
        %parallel_loop3A_179 = arith.addf %parallel_loop3A_173, %parallel_loop3A_178 : vector<16xf32>
        %parallel_loop3A_180 = arith.constant 1 : i32
        %parallel_loop3A_181 = vector.broadcast %parallel_loop3A_180 : i32 to vector<16xi32>
        %parallel_loop3A_182 = arith.xori %iota3A, %parallel_loop3A_181 : vector<16xi32>
        %parallel_loop3A_183 = vector.shape_cast %parallel_loop3A_182 : vector<16xi32> to vector<16x1xi32>
        %parallel_loop3A_184 = vector.shape_cast %parallel_loop3A_183 : vector<16x1xi32> to vector<16xi32>
        %parallel_loop3A_185 = tpu.dynamic_gather %parallel_loop3A_179[%parallel_loop3A_184] in [0] : vector<16xf32>, vector<16xi32> -> vector<16xf32>
        %parallel_loop3A_186 = arith.addf %parallel_loop3A_179, %parallel_loop3A_185 : vector<16xf32>
        %parallel_loop3A_187 = arith.constant 2 : i32
        %parallel_loop3A_188 = vector.broadcast %parallel_loop3A_187 : i32 to vector<16xi32>
        %parallel_loop3A_189 = arith.xori %iota3A, %parallel_loop3A_188 : vector<16xi32>
        %parallel_loop3A_190 = vector.shape_cast %parallel_loop3A_189 : vector<16xi32> to vector<16x1xi32>
        %parallel_loop3A_191 = vector.shape_cast %parallel_loop3A_190 : vector<16x1xi32> to vector<16xi32>
        %parallel_loop3A_192 = tpu.dynamic_gather %parallel_loop3A_186[%parallel_loop3A_191] in [0] : vector<16xf32>, vector<16xi32> -> vector<16xf32>
        %parallel_loop3A_193 = arith.addf %parallel_loop3A_186, %parallel_loop3A_192 : vector<16xf32>
        %parallel_loop3A_194 = arith.constant 4 : i32
        %parallel_loop3A_195 = vector.broadcast %parallel_loop3A_194 : i32 to vector<16xi32>
        %parallel_loop3A_196 = arith.xori %iota3A, %parallel_loop3A_195 : vector<16xi32>
        %parallel_loop3A_197 = vector.shape_cast %parallel_loop3A_196 : vector<16xi32> to vector<16x1xi32>
        %parallel_loop3A_198 = vector.shape_cast %parallel_loop3A_197 : vector<16x1xi32> to vector<16xi32>
        %parallel_loop3A_199 = tpu.dynamic_gather %parallel_loop3A_193[%parallel_loop3A_198] in [0] : vector<16xf32>, vector<16xi32> -> vector<16xf32>
        %parallel_loop3A_200 = arith.addf %parallel_loop3A_193, %parallel_loop3A_199 : vector<16xf32>
        %parallel_loop3A_201 = arith.constant 8 : i32
        %parallel_loop3A_202 = vector.broadcast %parallel_loop3A_201 : i32 to vector<16xi32>
        %parallel_loop3A_203 = arith.xori %iota3A, %parallel_loop3A_202 : vector<16xi32>
        %parallel_loop3A_204 = vector.shape_cast %parallel_loop3A_203 : vector<16xi32> to vector<16x1xi32>
        %parallel_loop3A_205 = vector.shape_cast %parallel_loop3A_204 : vector<16x1xi32> to vector<16xi32>
        %parallel_loop3A_206 = tpu.dynamic_gather %parallel_loop3A_200[%parallel_loop3A_205] in [0] : vector<16xf32>, vector<16xi32> -> vector<16xf32>
        %parallel_loop3A_207 = arith.addf %parallel_loop3A_200, %parallel_loop3A_206 : vector<16xf32>
        %parallel_loop3A_208 = arith.constant 1.000000e+00 : f32
        %parallel_loop3A_209 = vector.broadcast %parallel_loop3A_208 : f32 to vector<16xf32>
        %parallel_loop3A_210 = arith.divf %parallel_loop3A_209, %parallel_loop3A_207 : vector<16xf32>
        %parallel_loop3A_211 = arith.mulf %parallel_loop3A_97, %parallel_loop3A_210 : vector<16xf32>
        %parallel_loop3A_212 = arith.index_cast %parallel_loop3A_60 : i32 to index
        %parallel_loop3A_213 = arith.constant 0 : index
        %parallel_loop3A_214 = tpu.vector_load %arg13[%parallel_loop3A_212, %parallel_loop3A_213] {strides = array<i32>} : memref<64x128xf32, #tpu.memory_space<vmem>>, vector<1x16xf32>,
        %parallel_loop3A_215 = vector.shape_cast %parallel_loop3A_214 : vector<1x16xf32> to vector<16xf32>
        %parallel_loop3A_216 = vector.shape_cast %parallel_loop3A_211 : vector<16xf32> to vector<1x16xf32>
        tpu.vector_store %arg13[%parallel_loop3A_212, %parallel_loop3A_213], %parallel_loop3A_216 {strides = array<i32>} : memref<64x128xf32, #tpu.memory_space<vmem>>, vector<1x16xf32>,
        %parallel_loop3A_217 = arith.mulf %parallel_loop3A_102, %parallel_loop3A_210 : vector<16xf32>
        %parallel_loop3A_218 = arith.index_cast %parallel_loop3A_60 : i32 to index
        %parallel_loop3A_219 = arith.constant 16 : index
        %parallel_loop3A_220 = tpu.vector_load %arg13[%parallel_loop3A_218, %parallel_loop3A_219] {strides = array<i32>} : memref<64x128xf32, #tpu.memory_space<vmem>>, vector<1x16xf32>,
        %parallel_loop3A_221 = vector.shape_cast %parallel_loop3A_220 : vector<1x16xf32> to vector<16xf32>
        %parallel_loop3A_222 = vector.shape_cast %parallel_loop3A_217 : vector<16xf32> to vector<1x16xf32>
        tpu.vector_store %arg13[%parallel_loop3A_218, %parallel_loop3A_219], %parallel_loop3A_222 {strides = array<i32>} : memref<64x128xf32, #tpu.memory_space<vmem>>, vector<1x16xf32>,
        %parallel_loop3A_223 = arith.mulf %parallel_loop3A_107, %parallel_loop3A_210 : vector<16xf32>
        %parallel_loop3A_224 = arith.index_cast %parallel_loop3A_60 : i32 to index
        %parallel_loop3A_225 = arith.constant 32 : index
        %parallel_loop3A_226 = tpu.vector_load %arg13[%parallel_loop3A_224, %parallel_loop3A_225] {strides = array<i32>} : memref<64x128xf32, #tpu.memory_space<vmem>>, vector<1x16xf32>,
        %parallel_loop3A_227 = vector.shape_cast %parallel_loop3A_226 : vector<1x16xf32> to vector<16xf32>
        %parallel_loop3A_228 = vector.shape_cast %parallel_loop3A_223 : vector<16xf32> to vector<1x16xf32>
        tpu.vector_store %arg13[%parallel_loop3A_224, %parallel_loop3A_225], %parallel_loop3A_228 {strides = array<i32>} : memref<64x128xf32, #tpu.memory_space<vmem>>, vector<1x16xf32>,
        %parallel_loop3A_229 = arith.mulf %parallel_loop3A_112, %parallel_loop3A_210 : vector<16xf32>
        %parallel_loop3A_230 = arith.index_cast %parallel_loop3A_60 : i32 to index
        %parallel_loop3A_231 = arith.constant 48 : index
        %parallel_loop3A_232 = tpu.vector_load %arg13[%parallel_loop3A_230, %parallel_loop3A_231] {strides = array<i32>} : memref<64x128xf32, #tpu.memory_space<vmem>>, vector<1x16xf32>,
        %parallel_loop3A_233 = vector.shape_cast %parallel_loop3A_232 : vector<1x16xf32> to vector<16xf32>
        %parallel_loop3A_234 = vector.shape_cast %parallel_loop3A_229 : vector<16xf32> to vector<1x16xf32>
        tpu.vector_store %arg13[%parallel_loop3A_230, %parallel_loop3A_231], %parallel_loop3A_234 {strides = array<i32>} : memref<64x128xf32, #tpu.memory_space<vmem>>, vector<1x16xf32>,
        %parallel_loop3A_235 = arith.mulf %parallel_loop3A_117, %parallel_loop3A_210 : vector<16xf32>
        %parallel_loop3A_236 = arith.index_cast %parallel_loop3A_60 : i32 to index
        %parallel_loop3A_237 = arith.constant 64 : index
        %parallel_loop3A_238 = tpu.vector_load %arg13[%parallel_loop3A_236, %parallel_loop3A_237] {strides = array<i32>} : memref<64x128xf32, #tpu.memory_space<vmem>>, vector<1x16xf32>,
        %parallel_loop3A_239 = vector.shape_cast %parallel_loop3A_238 : vector<1x16xf32> to vector<16xf32>
        %parallel_loop3A_240 = vector.shape_cast %parallel_loop3A_235 : vector<16xf32> to vector<1x16xf32>
        tpu.vector_store %arg13[%parallel_loop3A_236, %parallel_loop3A_237], %parallel_loop3A_240 {strides = array<i32>} : memref<64x128xf32, #tpu.memory_space<vmem>>, vector<1x16xf32>,
        %parallel_loop3A_241 = arith.mulf %parallel_loop3A_122, %parallel_loop3A_210 : vector<16xf32>
        %parallel_loop3A_242 = arith.index_cast %parallel_loop3A_60 : i32 to index
        %parallel_loop3A_243 = arith.constant 80 : index
        %parallel_loop3A_244 = tpu.vector_load %arg13[%parallel_loop3A_242, %parallel_loop3A_243] {strides = array<i32>} : memref<64x128xf32, #tpu.memory_space<vmem>>, vector<1x16xf32>,
        %parallel_loop3A_245 = vector.shape_cast %parallel_loop3A_244 : vector<1x16xf32> to vector<16xf32>
        %parallel_loop3A_246 = vector.shape_cast %parallel_loop3A_241 : vector<16xf32> to vector<1x16xf32>
        tpu.vector_store %arg13[%parallel_loop3A_242, %parallel_loop3A_243], %parallel_loop3A_246 {strides = array<i32>} : memref<64x128xf32, #tpu.memory_space<vmem>>, vector<1x16xf32>,
        %parallel_loop3A_247 = arith.mulf %parallel_loop3A_127, %parallel_loop3A_210 : vector<16xf32>
        %parallel_loop3A_248 = arith.index_cast %parallel_loop3A_60 : i32 to index
        %parallel_loop3A_249 = arith.constant 96 : index
        %parallel_loop3A_250 = tpu.vector_load %arg13[%parallel_loop3A_248, %parallel_loop3A_249] {strides = array<i32>} : memref<64x128xf32, #tpu.memory_space<vmem>>, vector<1x16xf32>,
        %parallel_loop3A_251 = vector.shape_cast %parallel_loop3A_250 : vector<1x16xf32> to vector<16xf32>
        %parallel_loop3A_252 = vector.shape_cast %parallel_loop3A_247 : vector<16xf32> to vector<1x16xf32>
        tpu.vector_store %arg13[%parallel_loop3A_248, %parallel_loop3A_249], %parallel_loop3A_252 {strides = array<i32>} : memref<64x128xf32, #tpu.memory_space<vmem>>, vector<1x16xf32>,
        %parallel_loop3A_253 = arith.mulf %parallel_loop3A_132, %parallel_loop3A_210 : vector<16xf32>
        %parallel_loop3A_254 = arith.index_cast %parallel_loop3A_60 : i32 to index
        %parallel_loop3A_255 = arith.constant 112 : index
        %parallel_loop3A_256 = tpu.vector_load %arg13[%parallel_loop3A_254, %parallel_loop3A_255] {strides = array<i32>} : memref<64x128xf32, #tpu.memory_space<vmem>>, vector<1x16xf32>,
        %parallel_loop3A_257 = vector.shape_cast %parallel_loop3A_256 : vector<1x16xf32> to vector<16xf32>
        %parallel_loop3A_258 = vector.shape_cast %parallel_loop3A_253 : vector<16xf32> to vector<1x16xf32>
        tpu.vector_store %arg13[%parallel_loop3A_254, %parallel_loop3A_255], %parallel_loop3A_258 {strides = array<i32>} : memref<64x128xf32, #tpu.memory_space<vmem>>, vector<1x16xf32>,
      } {sc.loop_unroll_factor = 1 : i64, sc.parallel_access}
      "tpu.region"() ({
        %run_scoped3A = tpu.sem_alloc : memref<!tpu.dma_semaphore, #tpu.memory_space<semaphore_mem>>
        %dma_start3A_60 = arith.constant 0 : i32
        %dma_start3A_61 = arith.constant 0 : i32
        %dma_start3A_62 = tpu.memref_slice %arg15[%dma_start3A_60, %dma_start3A_61] : memref<10000x128xf32, #tpu.memory_space<vmem_shared>> -> memref<10000x128xf32, #tpu.memory_space<vmem_shared>>
        tpu.enqueue_indirect_dma source(%arg13 : memref<64x128xf32, #tpu.memory_space<vmem>>) target(%dma_start3A_62 : memref<10000x128xf32, #tpu.memory_space<vmem_shared>>) offsets(%arg8 : memref<64xi32, #tpu.memory_space<vmem>>) semaphore(%run_scoped3A : memref<!tpu.dma_semaphore, #tpu.memory_space<semaphore_mem>>) {add = true}
        %dma_wait3A_63 = arith.constant 0 : i32
        %dma_wait3A_64 = arith.constant 0 : i32
        %dma_wait3A_65 = tpu.memref_slice %arg15[%dma_wait3A_63, %dma_wait3A_64] : memref<10000x128xf32, #tpu.memory_space<vmem_shared>> -> memref<10000x128xf32, #tpu.memory_space<vmem_shared>>
        tpu.wait_indirect_dma semaphore(%run_scoped3A : memref<!tpu.dma_semaphore, #tpu.memory_space<semaphore_mem>>) src(%arg13 : memref<64x128xf32, #tpu.memory_space<vmem>>) dst(%dma_wait3A_65 : memref<10000x128xf32, #tpu.memory_space<vmem_shared>>)
        tpu.yield
      }) : () -> ()
    } else {
    }
    %barrier3A_41 = arith.constant 0 : index
    tpu.barrier barrier_id(%barrier3A_41)
    %mul3A_42 = arith.constant 624 : i32
    %mul3A_43 = arith.muli %arg1, %mul3A_42 : i32
    "tpu.region"() ({
      %run_scoped3A = tpu.sem_alloc : memref<!tpu.dma_semaphore, #tpu.memory_space<semaphore_mem>>
      %dma_start3A_49 = arith.constant 0 : i32
      %dma_start3A_50 = tpu.memref_slice %arg6[%arg0, %mul3A_43, %dma_start3A_49] : memref<2x10000x128xf32, #tpu.memory_space<hbm>> -> memref<1x624x128xf32, #tpu.memory_space<hbm>>
      %dma_start3A_51 = tpu.memref_squeeze %dma_start3A_50 : memref<1x624x128xf32, #tpu.memory_space<hbm>> -> memref<624x128xf32, #tpu.memory_space<hbm>>
      %dma_start3A_52 = arith.constant 0 : i32
      %dma_start3A_53 = tpu.memref_slice %arg15[%mul3A_43, %dma_start3A_52] : memref<10000x128xf32, #tpu.memory_space<vmem_shared>> -> memref<624x128xf32, #tpu.memory_space<vmem_shared>>
      tpu.enqueue_dma source(%dma_start3A_53 : memref<624x128xf32, #tpu.memory_space<vmem_shared>>) target(%dma_start3A_51 : memref<624x128xf32, #tpu.memory_space<hbm>>) target_semaphore(%run_scoped3A : memref<!tpu.dma_semaphore, #tpu.memory_space<semaphore_mem>>)
      %dma_wait3A_54 = arith.constant 0 : i32
      %dma_wait3A_55 = tpu.memref_slice %arg6[%arg0, %mul3A_43, %dma_wait3A_54] : memref<2x10000x128xf32, #tpu.memory_space<hbm>> -> memref<1x624x128xf32, #tpu.memory_space<hbm>>
      %dma_wait3A_56 = tpu.memref_squeeze %dma_wait3A_55 : memref<1x624x128xf32, #tpu.memory_space<hbm>> -> memref<624x128xf32, #tpu.memory_space<hbm>>
      %dma_wait3A_57 = arith.constant 0 : i32
      %dma_wait3A_58 = tpu.memref_slice %arg15[%mul3A_43, %dma_wait3A_57] : memref<10000x128xf32, #tpu.memory_space<vmem_shared>> -> memref<624x128xf32, #tpu.memory_space<vmem_shared>>
      tpu.wait_dma2 semaphore(%run_scoped3A : memref<!tpu.dma_semaphore, #tpu.memory_space<semaphore_mem>>) src(%dma_wait3A_58 : memref<624x128xf32, #tpu.memory_space<vmem_shared>>) dst(%dma_wait3A_56 : memref<624x128xf32, #tpu.memory_space<hbm>>)
      tpu.yield
    }) : () -> ()
    %eq3A_44 = arith.constant 0 : i32
    %eq3A_45 = arith.cmpi eq, %arg1, %eq3A_44 : i32
    %convert_element_type3A_46 = arith.extui %eq3A_45 : i1 to i32
    %cond3A_47 = arith.constant 0 : i32
    %cond3A_48 = arith.cmpi ne, %convert_element_type3A_46, %cond3A_47 : i32
    scf.if %cond3A_48 {
      "tpu.region"() ({
        %run_scoped3A = tpu.sem_alloc : memref<!tpu.dma_semaphore, #tpu.memory_space<semaphore_mem>>
        %dma_start3A_49 = arith.constant 9984 : i32
        %dma_start3A_50 = arith.constant 0 : i32
        %dma_start3A_51 = tpu.memref_slice %arg6[%arg0, %dma_start3A_49, %dma_start3A_50] : memref<2x10000x128xf32, #tpu.memory_space<hbm>> -> memref<1x16x128xf32, #tpu.memory_space<hbm>>
        %dma_start3A_52 = tpu.memref_squeeze %dma_start3A_51 : memref<1x16x128xf32, #tpu.memory_space<hbm>> -> memref<16x128xf32, #tpu.memory_space<hbm>>
        %dma_start3A_53 = arith.constant 9984 : i32
        %dma_start3A_54 = arith.constant 0 : i32
        %dma_start3A_55 = tpu.memref_slice %arg15[%dma_start3A_53, %dma_start3A_54] : memref<10000x128xf32, #tpu.memory_space<vmem_shared>> -> memref<16x128xf32, #tpu.memory_space<vmem_shared>>
        tpu.enqueue_dma source(%dma_start3A_55 : memref<16x128xf32, #tpu.memory_space<vmem_shared>>) target(%dma_start3A_52 : memref<16x128xf32, #tpu.memory_space<hbm>>) target_semaphore(%run_scoped3A : memref<!tpu.dma_semaphore, #tpu.memory_space<semaphore_mem>>)
        %dma_wait3A_56 = arith.constant 9984 : i32
        %dma_wait3A_57 = arith.constant 0 : i32
        %dma_wait3A_58 = tpu.memref_slice %arg6[%arg0, %dma_wait3A_56, %dma_wait3A_57] : memref<2x10000x128xf32, #tpu.memory_space<hbm>> -> memref<1x16x128xf32, #tpu.memory_space<hbm>>
        %dma_wait3A_59 = tpu.memref_squeeze %dma_wait3A_58 : memref<1x16x128xf32, #tpu.memory_space<hbm>> -> memref<16x128xf32, #tpu.memory_space<hbm>>
        %dma_wait3A_60 = arith.constant 9984 : i32
        %dma_wait3A_61 = arith.constant 0 : i32
        %dma_wait3A_62 = tpu.memref_slice %arg15[%dma_wait3A_60, %dma_wait3A_61] : memref<10000x128xf32, #tpu.memory_space<vmem_shared>> -> memref<16x128xf32, #tpu.memory_space<vmem_shared>>
        tpu.wait_dma2 semaphore(%run_scoped3A : memref<!tpu.dma_semaphore, #tpu.memory_space<semaphore_mem>>) src(%dma_wait3A_62 : memref<16x128xf32, #tpu.memory_space<vmem_shared>>) dst(%dma_wait3A_59 : memref<16x128xf32, #tpu.memory_space<hbm>>)
        tpu.yield
      }) : () -> ()
    } else {
    }
    return
  }
}

module attributes {stable_mosaic.version = 14 : i64} {
  func.func @_edge_prep_body(%arg0: i32, %arg1: memref<16000x16xf32, #tpu.memory_space<vmem>>, %arg2: memref<128x16xf32, #tpu.memory_space<vmem>>, %arg3: memref<16000x128xf32, #tpu.memory_space<vmem>>) attributes {dimension_semantics = [#tpu.dimension_semantics<arbitrary>], iteration_bounds = array<i64: 20>, scalar_prefetch = 0 : i64, scratch_operands = 0 : i64, tpu.core_type = #tpu.core_type<tc>, window_params = [{transform_indices = @transform_0, window_bounds = array<i64: 16000, 16>}, {pipeline_mode = #tpu.pipeline_mode<synchronous>, transform_indices = @transform_1, window_bounds = array<i64: 128, 16>}, {transform_indices = @transform_2, window_bounds = array<i64: 16000, 128>}]} {
    %get3A = arith.constant 0 : index
    %get3A_0 = arith.constant 0 : index
    %get3A_1 = vector.load %arg1[%get3A, %get3A_0] : memref<16000x16xf32, #tpu.memory_space<vmem>>, vector<16000x16xf32>
    %get3A_2 = arith.constant 0 : index
    %get3A_3 = arith.constant 0 : index
    %get3A_4 = vector.load %arg2[%get3A_2, %get3A_3] : memref<128x16xf32, #tpu.memory_space<vmem>>, vector<128x16xf32>
    %dot_general3A = arith.constant dense<0.000000e+00> : vector<16000x128xf32>
    %dot_general3A_5 = tpu.matmul %get3A_1, %get3A_4, %dot_general3A {dimension_numbers = #tpu.dot_dimension_numbers<[1], [1], [0], [0], [0, 0, 1, 0], [], []>, transpose_lhs_hint = false} : vector<16000x16xf32>, vector<128x16xf32>, vector<16000x128xf32> -> vector<16000x128xf32>
    %reduce_max3A = arith.constant dense<0xFF800000> : vector<16000xf32>
    %reduce_max3A_6 = vector.multi_reduction <maximumf>, %dot_general3A_5, %reduce_max3A [1] : vector<16000x128xf32> to vector<16000xf32>
    %broadcast_in_dim3A = vector.shape_cast %reduce_max3A_6 : vector<16000xf32> to vector<16000x1xf32>
    %sub3A = vector.broadcast %broadcast_in_dim3A : vector<16000x1xf32> to vector<16000x128xf32>
    %sub3A_7 = arith.subf %dot_general3A_5, %sub3A : vector<16000x128xf32>
    %exp3A = math.exp %sub3A_7 : vector<16000x128xf32>
    %swap3A = arith.constant 0 : index
    %swap3A_8 = arith.constant 0 : index
    %swap3A_9 = vector.load %arg3[%swap3A, %swap3A_8] : memref<16000x128xf32, #tpu.memory_space<vmem>>, vector<16000x128xf32>
    tpu.vector_store %arg3[%swap3A, %swap3A_8], %exp3A {strides = array<i32>} : memref<16000x128xf32, #tpu.memory_space<vmem>>, vector<16000x128xf32>,
    return
  }
  func.func @transform_0(%arg0: i32) -> (i32, i32) {
    %c0_i32 = arith.constant 0 : i32
    %c0_i32_0 = arith.constant 0 : i32
    return %arg0, %c0_i32 : i32, i32
  }
  func.func @transform_1(%arg0: i32) -> (i32, i32) {
    %c0_i32 = arith.constant 0 : i32
    %c0_i32_0 = arith.constant 0 : i32
    %c0_i32_1 = arith.constant 0 : i32
    return %c0_i32, %c0_i32_0 : i32, i32
  }
  func.func @transform_2(%arg0: i32) -> (i32, i32) {
    %c0_i32 = arith.constant 0 : i32
    %c0_i32_0 = arith.constant 0 : i32
    return %arg0, %c0_i32 : i32, i32
  }
}

module attributes {stable_mosaic.version = 14 : i64} {
  func.func @_node_prep_body(%arg0: i32, %arg1: memref<1000x128xf32, #tpu.memory_space<vmem>>, %arg2: memref<1000x128xf32, #tpu.memory_space<vmem>>, %arg3: memref<128x128xf32, #tpu.memory_space<vmem>>, %arg4: memref<1000x256xf32, #tpu.memory_space<vmem>>) attributes {dimension_semantics = [#tpu.dimension_semantics<arbitrary>], iteration_bounds = array<i64: 10>, scalar_prefetch = 0 : i64, scratch_operands = 0 : i64, tpu.core_type = #tpu.core_type<tc>, window_params = [{transform_indices = @transform_0, window_bounds = array<i64: 1000, 128>}, {transform_indices = @transform_1, window_bounds = array<i64: 1000, 128>}, {pipeline_mode = #tpu.pipeline_mode<synchronous>, transform_indices = @transform_2, window_bounds = array<i64: 128, 128>}, {transform_indices = @transform_3, window_bounds = array<i64: 1000, 256>}]} {
    %get3A = arith.constant 0 : index
    %get3A_0 = arith.constant 0 : index
    %get3A_1 = vector.load %arg1[%get3A, %get3A_0] : memref<1000x128xf32, #tpu.memory_space<vmem>>, vector<1000x128xf32>
    %get3A_2 = arith.constant 0 : index
    %get3A_3 = arith.constant 0 : index
    %get3A_4 = vector.load %arg3[%get3A_2, %get3A_3] : memref<128x128xf32, #tpu.memory_space<vmem>>, vector<128x128xf32>
    %dot_general3A = arith.constant dense<0.000000e+00> : vector<1000x128xf32>
    %dot_general3A_5 = tpu.matmul %get3A_1, %get3A_4, %dot_general3A {dimension_numbers = #tpu.dot_dimension_numbers<[1], [1], [0], [0], [0, 0, 1, 0], [], []>, transpose_lhs_hint = false} : vector<1000x128xf32>, vector<128x128xf32>, vector<1000x128xf32> -> vector<1000x128xf32>
    %reduce_max3A = arith.constant dense<0xFF800000> : vector<1000xf32>
    %reduce_max3A_6 = vector.multi_reduction <maximumf>, %dot_general3A_5, %reduce_max3A [1] : vector<1000x128xf32> to vector<1000xf32>
    %broadcast_in_dim3A = vector.shape_cast %reduce_max3A_6 : vector<1000xf32> to vector<1000x1xf32>
    %sub3A = vector.broadcast %broadcast_in_dim3A : vector<1000x1xf32> to vector<1000x128xf32>
    %sub3A_7 = arith.subf %dot_general3A_5, %sub3A : vector<1000x128xf32>
    %exp3A = math.exp %sub3A_7 : vector<1000x128xf32>
    %swap3A = arith.constant 0 : index
    %swap3A_8 = arith.constant 0 : index
    %swap3A_9 = vector.load %arg4[%swap3A, %swap3A_8] : memref<1000x256xf32, #tpu.memory_space<vmem>>, vector<1000x128xf32>
    tpu.vector_store %arg4[%swap3A, %swap3A_8], %exp3A {strides = array<i32>} : memref<1000x256xf32, #tpu.memory_space<vmem>>, vector<1000x128xf32>,
    %get3A_10 = arith.constant 0 : index
    %get3A_11 = arith.constant 0 : index
    %get3A_12 = vector.load %arg2[%get3A_10, %get3A_11] : memref<1000x128xf32, #tpu.memory_space<vmem>>, vector<1000x128xf32>
    %mul3A = arith.mulf %get3A_12, %exp3A : vector<1000x128xf32>
    %swap3A_13 = arith.constant 0 : index
    %swap3A_14 = arith.constant 128 : index
    %swap3A_15 = vector.load %arg4[%swap3A_13, %swap3A_14] : memref<1000x256xf32, #tpu.memory_space<vmem>>, vector<1000x128xf32>
    tpu.vector_store %arg4[%swap3A_13, %swap3A_14], %mul3A {strides = array<i32>} : memref<1000x256xf32, #tpu.memory_space<vmem>>, vector<1000x128xf32>,
    return
  }
  func.func @transform_0(%arg0: i32) -> (i32, i32) {
    %c0_i32 = arith.constant 0 : i32
    %c0_i32_0 = arith.constant 0 : i32
    return %arg0, %c0_i32 : i32, i32
  }
  func.func @transform_1(%arg0: i32) -> (i32, i32) {
    %c0_i32 = arith.constant 0 : i32
    %c0_i32_0 = arith.constant 0 : i32
    return %arg0, %c0_i32 : i32, i32
  }
  func.func @transform_2(%arg0: i32) -> (i32, i32) {
    %c0_i32 = arith.constant 0 : i32
    %c0_i32_0 = arith.constant 0 : i32
    %c0_i32_1 = arith.constant 0 : i32
    return %c0_i32, %c0_i32_0 : i32, i32
  }
  func.func @transform_3(%arg0: i32) -> (i32, i32) {
    %c0_i32 = arith.constant 0 : i32
    %c0_i32_0 = arith.constant 0 : i32
    return %arg0, %c0_i32 : i32, i32
  }
}

module attributes {stable_mosaic.version = 14 : i64} {
  func.func @_gru_body(%arg0: i32, %arg1: memref<2x1000x128xf32, #tpu.memory_space<vmem>>, %arg2: memref<1000x128xf32, #tpu.memory_space<vmem>>, %arg3: memref<384x128xf32, #tpu.memory_space<vmem>>, %arg4: memref<384x128xf32, #tpu.memory_space<vmem>>, %arg5: memref<1x384xf32, #tpu.memory_space<vmem>>, %arg6: memref<1x384xf32, #tpu.memory_space<vmem>>, %arg7: memref<1000x128xf32, #tpu.memory_space<vmem>>) attributes {dimension_semantics = [#tpu.dimension_semantics<arbitrary>], iteration_bounds = array<i64: 10>, scalar_prefetch = 0 : i64, scratch_operands = 0 : i64, tpu.core_type = #tpu.core_type<tc>, window_params = [{transform_indices = @transform_0, window_bounds = array<i64: 2, 1000, 128>}, {transform_indices = @transform_1, window_bounds = array<i64: 1000, 128>}, {pipeline_mode = #tpu.pipeline_mode<synchronous>, transform_indices = @transform_2, window_bounds = array<i64: 384, 128>}, {pipeline_mode = #tpu.pipeline_mode<synchronous>, transform_indices = @transform_3, window_bounds = array<i64: 384, 128>}, {pipeline_mode = #tpu.pipeline_mode<synchronous>, transform_indices = @transform_4, window_bounds = array<i64: 1, 384>}, {pipeline_mode = #tpu.pipeline_mode<synchronous>, transform_indices = @transform_5, window_bounds = array<i64: 1, 384>}, {transform_indices = @transform_6, window_bounds = array<i64: 1000, 128>}]} {
    %get3A = arith.constant 0 : index
    %get3A_0 = arith.constant 0 : index
    %get3A_1 = arith.constant 0 : index
    %get3A_2 = vector.load %arg1[%get3A, %get3A_0, %get3A_1] : memref<2x1000x128xf32, #tpu.memory_space<vmem>>, vector<1x1000x128xf32>
    %get3A_3 = vector.shape_cast %get3A_2 : vector<1x1000x128xf32> to vector<1000x128xf32>
    %get3A_4 = arith.constant 1 : index
    %get3A_5 = arith.constant 0 : index
    %get3A_6 = arith.constant 0 : index
    %get3A_7 = vector.load %arg1[%get3A_4, %get3A_5, %get3A_6] : memref<2x1000x128xf32, #tpu.memory_space<vmem>>, vector<1x1000x128xf32>
    %get3A_8 = vector.shape_cast %get3A_7 : vector<1x1000x128xf32> to vector<1000x128xf32>
    %add3A = arith.addf %get3A_3, %get3A_8 : vector<1000x128xf32>
    %get3A_9 = arith.constant 0 : index
    %get3A_10 = arith.constant 0 : index
    %get3A_11 = vector.load %arg2[%get3A_9, %get3A_10] : memref<1000x128xf32, #tpu.memory_space<vmem>>, vector<1000x128xf32>
    %get3A_12 = arith.constant 0 : index
    %get3A_13 = arith.constant 0 : index
    %get3A_14 = vector.load %arg3[%get3A_12, %get3A_13] : memref<384x128xf32, #tpu.memory_space<vmem>>, vector<384x128xf32>
    %dot_general3A = arith.constant dense<0.000000e+00> : vector<1000x384xf32>
    %dot_general3A_15 = tpu.matmul %add3A, %get3A_14, %dot_general3A {dimension_numbers = #tpu.dot_dimension_numbers<[1], [1], [0], [0], [0, 0, 1, 0], [], []>, transpose_lhs_hint = false} : vector<1000x128xf32>, vector<384x128xf32>, vector<1000x384xf32> -> vector<1000x384xf32>
    %get3A_16 = arith.constant 0 : index
    %get3A_17 = arith.constant 0 : index
    %get3A_18 = vector.load %arg5[%get3A_16, %get3A_17] : memref<1x384xf32, #tpu.memory_space<vmem>>, vector<1x384xf32>
    %add3A_19 = vector.broadcast %get3A_18 : vector<1x384xf32> to vector<1000x384xf32>
    %add3A_20 = arith.addf %dot_general3A_15, %add3A_19 : vector<1000x384xf32>
    %get3A_21 = arith.constant 0 : index
    %get3A_22 = arith.constant 0 : index
    %get3A_23 = vector.load %arg4[%get3A_21, %get3A_22] : memref<384x128xf32, #tpu.memory_space<vmem>>, vector<384x128xf32>
    %dot_general3A_24 = arith.constant dense<0.000000e+00> : vector<1000x384xf32>
    %dot_general3A_25 = tpu.matmul %get3A_11, %get3A_23, %dot_general3A_24 {dimension_numbers = #tpu.dot_dimension_numbers<[1], [1], [0], [0], [0, 0, 1, 0], [], []>, transpose_lhs_hint = false} : vector<1000x128xf32>, vector<384x128xf32>, vector<1000x384xf32> -> vector<1000x384xf32>
    %get3A_26 = arith.constant 0 : index
    %get3A_27 = arith.constant 0 : index
    %get3A_28 = vector.load %arg6[%get3A_26, %get3A_27] : memref<1x384xf32, #tpu.memory_space<vmem>>, vector<1x384xf32>
    %add3A_29 = vector.broadcast %get3A_28 : vector<1x384xf32> to vector<1000x384xf32>
    %add3A_30 = arith.addf %dot_general3A_25, %add3A_29 : vector<1000x384xf32>
    %slice3A = vector.extract_strided_slice %add3A_20 {offsets = [0, 0], sizes = [1000, 128], strides = [1, 1]} : vector<1000x384xf32> to vector<1000x128xf32>
    %slice3A_31 = vector.extract_strided_slice %add3A_30 {offsets = [0, 0], sizes = [1000, 128], strides = [1, 1]} : vector<1000x384xf32> to vector<1000x128xf32>
    %add3A_32 = arith.addf %slice3A, %slice3A_31 : vector<1000x128xf32>
    %logistic3A = arith.negf %add3A_32 : vector<1000x128xf32>
    %logistic3A_33 = math.exp %logistic3A : vector<1000x128xf32>
    %logistic3A_34 = arith.constant 1.000000e+00 : f32
    %logistic3A_35 = vector.broadcast %logistic3A_34 : f32 to vector<1000x128xf32>
    %logistic3A_36 = arith.addf %logistic3A_35, %logistic3A_33 : vector<1000x128xf32>
    %logistic3A_37 = arith.divf %logistic3A_35, %logistic3A_36 : vector<1000x128xf32>
    %slice3A_38 = vector.extract_strided_slice %add3A_20 {offsets = [0, 128], sizes = [1000, 128], strides = [1, 1]} : vector<1000x384xf32> to vector<1000x128xf32>
    %slice3A_39 = vector.extract_strided_slice %add3A_30 {offsets = [0, 128], sizes = [1000, 128], strides = [1, 1]} : vector<1000x384xf32> to vector<1000x128xf32>
    %add3A_40 = arith.addf %slice3A_38, %slice3A_39 : vector<1000x128xf32>
    %logistic3A_41 = arith.negf %add3A_40 : vector<1000x128xf32>
    %logistic3A_42 = math.exp %logistic3A_41 : vector<1000x128xf32>
    %logistic3A_43 = arith.constant 1.000000e+00 : f32
    %logistic3A_44 = vector.broadcast %logistic3A_43 : f32 to vector<1000x128xf32>
    %logistic3A_45 = arith.addf %logistic3A_44, %logistic3A_42 : vector<1000x128xf32>
    %logistic3A_46 = arith.divf %logistic3A_44, %logistic3A_45 : vector<1000x128xf32>
    %slice3A_47 = vector.extract_strided_slice %add3A_20 {offsets = [0, 256], sizes = [1000, 128], strides = [1, 1]} : vector<1000x384xf32> to vector<1000x128xf32>
    %slice3A_48 = vector.extract_strided_slice %add3A_30 {offsets = [0, 256], sizes = [1000, 128], strides = [1, 1]} : vector<1000x384xf32> to vector<1000x128xf32>
    %mul3A = arith.mulf %logistic3A_37, %slice3A_48 : vector<1000x128xf32>
    %add3A_49 = arith.addf %slice3A_47, %mul3A : vector<1000x128xf32>
    %tanh3A = math.tanh %add3A_49 : vector<1000x128xf32>
    %sub3A = arith.constant 1.000000e+00 : f32
    %sub3A_50 = vector.broadcast %sub3A : f32 to vector<1000x128xf32>
    %sub3A_51 = arith.subf %sub3A_50, %logistic3A_46 : vector<1000x128xf32>
    %mul3A_52 = arith.mulf %sub3A_51, %tanh3A : vector<1000x128xf32>
    %mul3A_53 = arith.mulf %logistic3A_46, %get3A_11 : vector<1000x128xf32>
    %add3A_54 = arith.addf %mul3A_52, %mul3A_53 : vector<1000x128xf32>
    %swap3A = arith.constant 0 : index
    %swap3A_55 = arith.constant 0 : index
    %swap3A_56 = vector.load %arg7[%swap3A, %swap3A_55] : memref<1000x128xf32, #tpu.memory_space<vmem>>, vector<1000x128xf32>
    tpu.vector_store %arg7[%swap3A, %swap3A_55], %add3A_54 {strides = array<i32>} : memref<1000x128xf32, #tpu.memory_space<vmem>>, vector<1000x128xf32>,
    return
  }
  func.func @transform_0(%arg0: i32) -> (i32, i32, i32) {
    %c0_i32 = arith.constant 0 : i32
    %c0_i32_0 = arith.constant 0 : i32
    %c0_i32_1 = arith.constant 0 : i32
    return %c0_i32, %arg0, %c0_i32_0 : i32, i32, i32
  }
  func.func @transform_1(%arg0: i32) -> (i32, i32) {
    %c0_i32 = arith.constant 0 : i32
    %c0_i32_0 = arith.constant 0 : i32
    return %arg0, %c0_i32 : i32, i32
  }
  func.func @transform_2(%arg0: i32) -> (i32, i32) {
    %c0_i32 = arith.constant 0 : i32
    %c0_i32_0 = arith.constant 0 : i32
    %c0_i32_1 = arith.constant 0 : i32
    return %c0_i32, %c0_i32_0 : i32, i32
  }
  func.func @transform_3(%arg0: i32) -> (i32, i32) {
    %c0_i32 = arith.constant 0 : i32
    %c0_i32_0 = arith.constant 0 : i32
    %c0_i32_1 = arith.constant 0 : i32
    return %c0_i32, %c0_i32_0 : i32, i32
  }
  func.func @transform_4(%arg0: i32) -> (i32, i32) {
    %c0_i32 = arith.constant 0 : i32
    %c0_i32_0 = arith.constant 0 : i32
    %c0_i32_1 = arith.constant 0 : i32
    return %c0_i32, %c0_i32_0 : i32, i32
  }
  func.func @transform_5(%arg0: i32) -> (i32, i32) {
    %c0_i32 = arith.constant 0 : i32
    %c0_i32_0 = arith.constant 0 : i32
    %c0_i32_1 = arith.constant 0 : i32
    return %c0_i32, %c0_i32_0 : i32, i32
  }
  func.func @transform_6(%arg0: i32) -> (i32, i32) {
    %c0_i32 = arith.constant 0 : i32
    %c0_i32_0 = arith.constant 0 : i32
    return %arg0, %c0_i32 : i32, i32
  }
}

</mosaic_0001>

<sc_bundles>
// kernel: kernel.6.cloned.1.call-start
scs
__scs_entry_jumppad:
0x0: {  	(pc) =	sbr.rel $0x88, $3  }
0x1: {  	(tag) =	ssettag $0x0;
	lr =	simm.s32 $0x1  }
0x2: {  	[smem:$0x3F97] =	sst lr;
	_ =	strace $0xD0000000  }
0x3: {  	_ = 	snop  }
0x4: {  	_ = 	snop  }
0x5: {  	_ = 	snop  }
0x6: {  	_ = 	snop  }
0x7: {  	_ = 	snop  }
__scs_overlays_trampoline_lowered:
0x8: {  	[smem:$0x3FA6] =	sst s0  }
0x9: {  	[smem:$0x3FA7] =	sst s1  }
0xa: {  	[smem:$0x3FA8] =	sst s2  }
0xb: {  	[smem:$0x3FA9] =	sst s3  }
0xc: {  	[smem:$0x3FAA] =	sst s4  }
0xd: {  	[smem:$0x3FAB] =	sst s5  }
0xe: {  	[smem:$0x3FAC] =	sst s6  }
0xf: {  	[smem:$0x3FAD] =	sst s7  }
0x10: {  	[smem:$0x3FAE] =	sst s8  }
0x11: {  	[smem:$0x3FAF] =	sst s9;
	s0 =	simm.s32 @!p0 $0x0  }
0x12: {  	s1 =	sld [smem:$0x3F95];
	s0 =	simm.s32 @p0 $0x1  }
0x13: {  	[smem:$0x3FB0] =	sst s0;
	s0 =	simm.s32 @!p1 $0x0  }
0x14: {  	s2 =	sld [smem:$0x3F94];
	s0 =	simm.s32 @p1 $0x1  }
0x15: {  	[smem:$0x3FB1] =	sst s0;
	s0 =	simm.s32 @!p2 $0x0  }
0x16: {  	s3 =	sld [smem:$0x3FDB];
	s0 =	simm.s32 @p2 $0x1  }
0x17: {  	s4 =	simm.s32 $0x1BF5;
	[smem:$0x3FB3] =	sst s0  }
0x18: {  	s0 =	sld [smem:$0x3F96];
	_ =	swait.ge [sflag:s4], $0x0  }
0x19: {  	s7 =	sld [smem:$0x3F97]  }
0x1a: {  	s8 =	sadd.s32 $0xFFFFE003, lr  }
0x1b: {  	s9 =	sadd.s32 $0xFFFFFEF7, lr;
	s5 =	simm.s32 $0xFFFFFFFF;
	p2 =	slt.u32 s8, $0xFFFFF086  }
0x1c: {  	p1 =	slt.u32 s9, $0xF7A;
	s5 =	simm.s32 @!p2 $0x0  }
0x1d: {  	s5 =	simm.s32 @p1 $0x1;
	p0 =	seq.s32 s7, s2  }
0x1e: {  	s7 =	smul.u32 @!p0 $0xF7A, s2;
	p2 =	seq.s32 @!p0 s5, $0x0  }
0x1f: {  	s9 =	smul.u32 $0xF7A, s1;
	s8 =	simm.s32 @!p0 $0x1BF5;
	p2 =	por !p2, p0  }
0x20: {  	[sflag:s8] =	ssyncset.s32 @!p0 $0xFFFFF086;
	s6 =	sadd.s32 @!p0 s3, s7;
	s7 =	simm.s32 @!p0 $0x108  }
0x21: {  	s3 =	sadd.s32 s3, s9;
	s6 =	sadd.s32 @!p0 $0x88, s6;
	s7 =	simm.s32 @p2 $0x1082  }
0x22: {  	[simem:s7], [sflag:s8] =	dma.local @!p0 [hbm:s6], $0xF7A  }
0x23: {  	s9 =	sor.u32 $0xD0000000, s2;
	s6 =	simm.s32 $0x108;
	_ =	swait.ge @!p0 [sflag:s8], $0x0  }
0x24: {  	s3 =	sadd.s32 $0x88, s3;
	s6 =	simm.s32 @!p1 $0x1082;
	[sflag:s4] =	ssyncset.s32 $0xFFFFF086  }
0x25: {  	[simem:s6], [sflag:s4] =	dma.local [hbm:s3], $0xF7A  }
0x26: {  	[smem:$0x3F97] =	sst s1;
	(tag) =	ssettag s2;
	_ =	strace s9  }
0x27: {  	s1 =	sld [smem:$0x3FA7]  }
0x28: {  	s2 =	sld [smem:$0x3FA8]  }
0x29: {  	s4 =	sld [smem:$0x3FAA]  }
0x2a: {  	p0 =	seq.s32 s5, $0x0;
	s5 =	sld [smem:$0x3FAB]  }
0x2b: {  	s6 =	sld [smem:$0x3FAC]  }
0x2c: {  	s7 =	sld [smem:$0x3FAD]  }
0x2d: {  	s3 =	simm.s32 $0x108;
	s8 =	sld [smem:$0x3FAE]  }
0x2e: {  	s3 =	simm.s32 @!p0 $0x1082;
	s9 =	sld [smem:$0x3FAF]  }
0x2f: {  	lr =	sadd.s32 s0, s3;
	s0 =	sld [smem:$0x3FA6]  }
0x30: {  	s3 =	sld [smem:$0x3FA9]  }
0x31: {  	[smem:$0x3FB2] =	sst s10  }
0x32: {  	s10 =	sld [smem:$0x3FB0];
	_ =	sdelay $0x3  }
0x33: {  	p0 =	seq.s32 s10, $0x1;
	s10 =	sld [smem:$0x3FB2];
	_ =	sdelay $0x3  }
0x34: {  	[smem:$0x3FB2] =	sst s10  }
0x35: {  	s10 =	sld [smem:$0x3FB1];
	_ =	sdelay $0x3  }
0x36: {  	p1 =	seq.s32 s10, $0x1;
	s10 =	sld [smem:$0x3FB2];
	_ =	sdelay $0x3  }
0x37: {  	[smem:$0x3FB2] =	sst s10  }
0x38: {  	s10 =	sld [smem:$0x3FB3]  }
0x39: {  	_ = 	snop;
	(pc) =	sbr.ind lr, $3  }
0x3a: {  	_ = 	snop  }
0x3b: {  	_ = 	snop  }
0x3c: {  	p2 =	seq.s32 s10, $0x1;
	s10 =	sld [smem:$0x3FB2]  }
0x3d: {  	_ =	shalt  }
0x3e: {  	_ =	shalt  }
0x3f: {  	_ =	shalt  }
0x40: {  	_ =	shalt  }
0x41: {  	_ =	shalt  }
0x42: {  	_ =	shalt  }
0x43: {  	_ =	shalt  }
0x44: {  	_ =	shalt  }
0x45: {  	_ =	shalt  }
0x46: {  	_ =	shalt  }
0x47: {  	_ =	shalt  }
0x48: {  	_ =	shalt  }
0x49: {  	_ =	shalt  }
0x4a: {  	_ =	shalt  }
0x4b: {  	_ =	shalt  }
0x4c: {  	_ =	shalt  }
0x4d: {  	_ =	shalt  }
0x4e: {  	_ =	shalt  }
0x4f: {  	_ =	shalt  }
0x50: {  	_ =	shalt  }
0x51: {  	_ =	shalt  }
0x52: {  	_ =	shalt  }
0x53: {  	_ =	shalt  }
0x54: {  	_ =	shalt  }
0x55: {  	_ =	shalt  }
0x56: {  	_ =	shalt  }
0x57: {  	_ =	shalt  }
0x58: {  	_ =	shalt  }
0x59: {  	_ =	shalt  }
0x5a: {  	_ =	shalt  }
0x5b: {  	_ =	shalt  }
0x5c: {  	_ =	shalt  }
0x5d: {  	_ =	shalt  }
0x5e: {  	_ =	shalt  }
0x5f: {  	_ =	shalt  }
0x60: {  	_ =	shalt  }
0x61: {  	_ =	shalt  }
0x62: {  	_ =	shalt  }
0x63: {  	_ =	shalt  }
0x64: {  	_ =	shalt  }
0x65: {  	_ =	shalt  }
0x66: {  	_ =	shalt  }
0x67: {  	_ =	shalt  }
0x68: {  	_ =	shalt  }
0x69: {  	_ =	shalt  }
0x6a: {  	_ =	shalt  }
0x6b: {  	_ =	shalt  }
0x6c: {  	_ =	shalt  }
0x6d: {  	_ =	shalt  }
0x6e: {  	_ =	shalt  }
0x6f: {  	_ =	shalt  }
0x70: {  	_ =	shalt  }
0x71: {  	_ =	shalt  }
0x72: {  	_ =	shalt  }
0x73: {  	_ =	shalt  }
0x74: {  	_ =	shalt  }
0x75: {  	_ =	shalt  }
0x76: {  	_ =	shalt  }
0x77: {  	_ =	shalt  }
0x78: {  	_ =	shalt  }
0x79: {  	_ =	shalt  }
0x7a: {  	_ =	shalt  }
0x7b: {  	_ =	shalt  }
0x7c: {  	_ =	shalt  }
0x7d: {  	_ =	shalt  }
0x7e: {  	_ =	shalt  }
0x7f: {  	_ =	shalt  }
0x80: {  	_ =	shalt  }
0x81: {  	_ =	shalt  }
0x82: {  	_ =	shalt  }
0x83: {  	_ =	shalt  }
0x84: {  	_ =	shalt  }
0x85: {  	_ =	shalt  }
0x86: {  	_ =	shalt  }
0x87: {  	_ =	shalt  }
.Lfunc_end0:
.L_simem_size_0:
called_computation_lowered:
.L_overlay_start_0:
0x88: {  	s2 =	sld [smem:$0x3FD9]  }
0x89: {  	s3 =	sld [smem:$0x3FFE];
	_ =	sdelay $0x1  }
0x8a: {  	s1 =	srdreg.scid  }
0x8b: {  	s0 =	sand.u32 $0x1, s1  }
0x8c: {  	s17 =	sshll.u32 s0, $0xA;
	s2 =	sadd.s32 s3, s2  }
0x8d: {  	s2 =	sadd.s32 s2, s17  }
0x8e: {  	[smem:$0x3FBE] =	sst s2  }
0x8f: {  	_ = 	snop  }
0x90: {  	s2 =	sld [smem:$0x3FD0];
	(tm) =	ssettm $0x1  }
0x91: {  	s18 =	sld [smem:$0x3FFB];
	_ =	sdelay $0x3  }
0x92: {  	_ =	strace s18  }
0x93: {  	s3 =	sld [smem:$0x3FFC];
	_ =	sdelay $0x3  }
0x94: {  	_ =	strace s3  }
0x95: {  	s3 =	sld [smem:$0x3FFD];
	_ =	sdelay $0x3  }
0x96: {  	_ =	strace s3  }
0x97: {  	_ =	strace $0x8FFFFFFF  }
0x98: {  	s19 =	sld [smem:$0x3FDB];
	_ =	sdelay $0x1  }
0x99: {  	s4 =	simm.s32 $_scs_section_size  }
0x9a: {  	s5 =	simm.s32 $_size__tile_overlayer_lowered;
	s6 =	simm.s32 $_tile_overlayer_lowered  }
0x9b: {  	s22 =	simm.s32 $0x1BFF;
	s21 =	sshll.u32 s6, $0x1;
	s3 =	sadd.s32 s4, s19  }
0x9c: {  	s7 =	simm.s32 $0x0;
	s20 =	sshll.u32 s5, $0x1;
	s5 =	sadd.s32 s21, s3  }
0x9d: {  	[timem:s7], [sflag:s22] =	dma.local [hbm:s5], s20  }
0x9e: {  	_ =	swait.ge [sflag:s22], s20  }
0x9f: {  	s4 =	ssub.s32 $0x0, s20;
	[sflag:s22] =	ssyncset.done $0x0  }
0xa0: {  	[sflag:s22] =	ssyncadd.s32 s4;
	_ =	sdelay $0x1  }
0xa1: {  	s23 =	simm.s32 $0x1B8B  }
0xa2: {  	_ =	swait.ge [sflag:s23], $0x1  }
0xa3: {  	[sflag:s23] =	ssyncset.done $0x0  }
0xa4: {  	s25 =	simm.s32 $0x1B8E;
	s24 =	sld [smem:$0x3FFE];
	[sflag:s23] =	ssyncadd.s32 $0xFFFFFFFF  }
0xa5: {  	s26 =	simm.s32 $execute0_lowered;
	[smem:$0x3FD2] =	sst s25  }
0xa6: {  	s5 =	sshll.u32 s26, $0x1;
	_ =	strace $0x80000046;
	[dreg:$0x1] =	wrdreg $0xFFFFFFFF  }
0xa7: {  	s28 =	simm.s32 $_size_execute0_lowered;
	s3 =	sadd.s32 s3, s5;
	[dreg:$0x0] =	wrdreg $0x0  }
0xa8: {  	s5 =	sshll.u32 s28, $0x1;
	[dreg:$0x2] =	wrdreg s3  }
0xa9: {  	[dreg:$0x3] =	wrdreg s5  }
0xaa: {  	[dreg:$0x4] =	wrdreg $0xC0  }
0xab: {  	_ =	task [dreg:s7], $0x5FFFF  }
0xac: {  	[dreg:$0x1] =	wrdreg $0xFFFFFFFF  }
0xad: {  	[dreg:$0x0] =	wrdreg $0x60  }
0xae: {  	[dreg:$0x2] =	wrdreg s24  }
0xaf: {  	[dreg:$0x3] =	wrdreg s2  }
0xb0: {  	[dreg:$0x4] =	wrdreg $0xC2000  }
0xb1: {  	[dreg:$0x5] =	wrdreg $0x9  }
0xb2: {  	_ =	task.clear_ibuf [dreg:s7], $0x6FFFF;
	_ =	strace $0x90000046  }
0xb3: {  	s29 =	simm.s32 $0x9;
	_ =	strace $0x80000048  }
0xb4: {  	_ =	swait.ge [sflag:s29], $0x1  }
0xb5: {  	[sflag:s29] =	ssyncadd.s32 $0xFFFFFFFF  }
0xb6: {  	_ =	strace $0x90000048  }
0xb7: {  	_ =	sfence  }
0xb8: {  	s30 =	sld [smem:$0x0];
	_ =	sdelay $0x2  }
0xb9: {  	s31 =	sshll.u32 s1, $0xD;
	s1 =	sshrl.u32 s1, $0x2  }
0xba: {  	s3 =	sand.u32 $0x4000, s31;
	s1 =	sadd.s32 s1, s30  }
0xbb: {  	s0 =	sor.u32 s3, s0;
	s1 =	sshll.u32 s1, $0x11  }
0xbc: {  	s0 =	sor.u32 s1, s0  }
0xbd: {  	s0 =	sadd.s32 $0x8F2B, s0  }
0xbe: {  	[sflag:s0] =	ssyncadd.remote.s32 $0x1  }
0xbf: {  	_ =	sfence.sel $0xFFFF  }
0xc0: {  	[dreg:$0x0] =	wrdreg $0xFFFFFFFF;
	(pc) =	sbr.abs _section_cstart, $3  }
0xc1: {  	[dreg:$0x1] =	wrdreg $0xFFFFFFFF  }
0xc2: {  	_ =	task.clear_ibuf [dreg:s7], $0x2FFFF;
	_ =	strace $0x9FFFFFFF  }
0xc3: {  	(tm) =	ssettm $0x7FFFFFFF  }
tec
execute0_lowered:
.L_overlay_start_1:
0x0: {  	(tag) =	ssettag $0x1  }
0x1: {  	s0 =	rddreg [dreg:$0x0]  }
0x2: {  	s6 =	rddreg [dreg:$0x1]  }
0x3: {  	s1 =	rddreg [dreg:$0x2];
	s2 =	simm.s32 $0x0  }
0x4: {  	s7 =	srdreg.scid;
	s8 =	stileid.u32;
	s18 =	simm.s32 $0x5A00  }
0x5: {  	s19 =	simm.s32 $0x6200;
	[smem:$0x7FF] =	sst s2;
	s3 =	sadd.s32 $0x2800, s0  }
0x6: {  	s4 =	sadd.s32 $0x4F8200, s0;
	s5 =	sadd.s32 $0x4E4800, s0;
	s7 =	sand.u32 $0x1, s7  }
0x7: {  	s10 =	sadd.s32 $0x50A00, s0;
	s11 =	smul.u32 $0x4E000, s8;
	s13 =	sshll.u32 s8, $0x1  }
0x8: {  	s14 =	smul.u32 $0x13800, s8;
	s15 =	sshll.u32 s8, $0x6;
	s22 =	sadd.s32 $0x138000, s1  }
0x9: {  	p0 =	slt.u32 s8, $0x4;
	s16 =	sadd.s32 $0x4EE440, s0;
	p1 =	sgt.u32 s8, $0x3  }
0xa: {  	_ =	strace $0x80000047;
	s9 =	ssub.s32 $0x2, s7;
	s13 =	sor.u32 s7, s13  }
0xb: {  	s17 =	sor.u32 $0x1C03, s15;
	[dreg:$0x6] =	wrdreg s22;
	s7 =	smul.u32 $0x138800, s7  }
0xc: {  	s22 =	simm.s32 $0x80;
	s12 =	sshrl.u32 s9, $0x1;
	s20 =	sshrl.u32 s11, $0x2  }
0xd: {  	s21 =	sshrl.u32 s14, $0x3;
	s23 =	sshll.u32 s13, $0x6;
	s25 =	sshll.u32 s13, $0x3  }
0xe: {  	s26 =	sshll.u32 s13, $0xA;
	[dreg:$0x5] =	wrdreg s17;
	s12 =	ssub.s32 s9, s12  }
0xf: {  	s11 =	sadd.s32 s20, s1;
	s9 =	sadd.s32 s6, s21;
	s6 =	sadd.s32 $0x27000, s6  }
0x10: {  	v0 =	vimm.s32 $0xEFCDAB89;
	v1 =	vimm.s32 $0x67452301;
	[dreg:$0x7] =	wrdreg s23;
	s24 =	sshrl.u32 s23, $0x3;
	s15 =	sadd.s32 s5, s25  }
0x11: {  	v0 =	vunpack.c.l.s4.s8 v0;
	v1 =	vunpack.c.l.s4.s8 v1;
	s28 =	sadd.s32 s14, s7;
	s7 =	sshrl.u32 s7, $0x3;
	s21 =	simm.s32 $0x3  }
0x12: {  	v2 =	vimm.s32 $0xDCFE98BA;
	s23 =	simm.s32 $0x1;
	s20 =	simm.s32 $0x6A00;
	[dreg:$0x4] =	wrdreg s9  }
0x13: {  	v2 =	vunpack.c.l.s4.s8 v2;
	v0 =	vunpack.c.0.s8.s32 v0;
	v1 =	vunpack.c.0.s8.s32 v1;
	s25 =	simm.s32 $0xA200;
	s9 =	simm.s32 $0x9D;
	[dreg:$0x8] =	wrdreg s6  }
0x14: {  	v3 =	vimm.s32 $0xBA98FEDC;
	v4 =	vimm.s32 $0x32107654;
	v5 =	vimm.s32 $0xFEDCBA98;
	s6 =	sadd.s32 s5, s24;
	[dreg:$0x9] =	wrdreg s15;
	s15 =	sor.u32 $0x20, s13  }
0x15: {  	s7 =	sadd.s32 s10, s7;
	s31 =	smax.u32 s12, $0x1;
	v0 =	vcombine.low v1, v0;
	v1 =	vunpack.c.0.s8.s32 v2;
	v2 =	vimm.s32 $0x54761032;
	s12 =	simm.s32 $0x2  }
0x16: {  	v6 =	vimm.s32 $0x76543210;
	v7 =	vlaneseq.u32;
	s24 =	simm.s32 $0x7A00;
	s13 =	simm.s32 $0x0;
	s9 =	simm.s32 @!p0 $0x9C;
	v2 =	vunpack.c.l.s4.s8 v2  }
0x17: {  	v3 =	vunpack.c.l.s4.s8 v3;
	v4 =	vunpack.c.l.s4.s8 v4;
	v5 =	vunpack.c.l.s4.s8 v5;
	s6 =	sadd.s32 $0x9C40, s6;
	s30 =	sadd.s32 $0x27000, s7;
	[dreg:$0xe] =	wrdreg s31  }
.Ltmp0:
0x18: {  	vm0 =	vmmov $0xffff;
	v6 =	vunpack.c.l.s4.s8 v6;
	[dreg:$0xa] =	wrdreg s6;
	s6 =	sadd.s32 s4, s26;
	v2 =	vunpack.c.0.s8.s32 v2;
	(pc) =	sbr.rel .LBB2_1-.Ltmp0, $4  }
0x19: {  	v3 =	vunpack.c.0.s8.s32 v3;
	v4 =	vunpack.c.0.s8.s32 v4;
	v5 =	vunpack.c.0.s8.s32 v5;
	p0 =	sne.s32 s8, $0x0;
	[dreg:$0xb] =	wrdreg s6;
	s6 =	sshrl.u32 s28, $0x3  }
0x1a: {  	v8 =	vshrl.u32 v7, $0x3;
	v6 =	vunpack.c.0.s8.s32 v6;
	s7 =	simm.s32 $0x7200;
	[dreg:$0xd] =	wrdreg s30;
	s29 =	sadd.s32 s10, s6;
	v1 =	vcombine.low v2, v1  }
0x1b: {  	s26 =	simm.s32 $0x40;
	s10 =	sshrl.u32 s11, $0x3;
	[dreg:$0xc] =	wrdreg s29;
	v2 =	vcombine.low v4, v3;
	v4 =	vmul.u32 $0x8, v8;
	v8 =	vand.u32 $0xF, v5  }
0x1c: {  	s6 =	simm.s32 $0x8200;
	s11 =	simm.s32 $0x180;
	v3 =	vand.u32 $0x7, v7;
	v5 =	vor.u32 $0x8, v7;
	[dreg:$0xf] =	wrdreg s10;
	v6 =	vcombine.low v8, v6  }
.LBB2_13:
0x1d: {  	[bflag:$0x0] =	sbarrier.arrive $0xFFFF  }
0x1e: {  	s17 =	rddreg [dreg:$0x5]  }
0x1f: {  	s0 =	rddreg [dreg:$0xc]  }
0x20: {  	s10 =	rddreg [dreg:$0xf]  }
0x21: {  	[hbm:s0], [sflag:s17] =	dma.local [spmem:s10], $0x2700  }
0x22: {  	_ =	swait.ge [sflag:s21], $0x2700  }
0x23: {  	[sflag:s21] =	ssyncset.done $0x0;
	s0 =	rddreg [dreg:$0xd]  }
0x24: {  	s8 =	rddreg [dreg:$0x11];
	[sflag:s21] =	ssyncadd.s32 $0xFFFFD900  }
0x25: {  	[hbm:s0], [sflag:s17] =	dma.local @!p0 [spmem:s8], $0x100  }
0x26: {  	s0 =	simm.s32 @!p0 $0x3  }
0x27: {  	_ =	swait.ge @!p0 [sflag:s0], $0x100  }
0x28: {  	s13 =	sadd.s32 $0x1, s13;
	s31 =	rddreg [dreg:$0xe]  }
0x29: {  	p2 =	sne.s32 s13, s31  }
.Ltmp1:
0x2a: {  	_ = 	snop;
	(pc) =	sbr.rel @!p2 .LBB2_14-.Ltmp1, $3  }
0x2b: {  	_ =	sdelay $0x1  }
0x2c: {  	[sflag:s0] =	ssyncset.done @!p0 $0x0  }
0x2d: {  	[sflag:s0] =	ssyncadd.s32 @!p0 $0xFFFFFF00  }
.LBB2_1:
0x2e: {  	[dreg:$0x10] =	wrdreg s13  }
0x2f: {  	s0 =	rddreg [dreg:$0x4]  }
0x30: {  	[spmem:s10], [sflag:s17] =	dma.local [hbm:s0], $0x2700  }
0x31: {  	_ =	swait.ge [sflag:s21], $0x2700  }
0x32: {  	s0 =	rddreg [dreg:$0x6]  }
0x33: {  	[sflag:s21] =	ssyncset.done $0x0;
	s8 =	sshrl.u32 @!p0 s0, $0x3;
	s0 =	rddreg [dreg:$0x8]  }
0x34: {  	[sflag:s21] =	ssyncadd.s32 $0xFFFFD900;
	[dreg:$0x11] =	wrdreg s8  }
0x35: {  	[spmem:s8], [sflag:s17] =	dma.local @!p0 [hbm:s0], $0x100  }
0x36: {  	s0 =	simm.s32 @!p0 $0x3  }
0x37: {  	_ =	swait.ge @!p0 [sflag:s0], $0x100  }
0x38: {  	[sflag:s0] =	ssyncset.done @!p0 $0x0  }
0x39: {  	[sflag:s0] =	ssyncadd.s32 @!p0 $0xFFFFFF00  }
0x3a: {  	[bflag:$0x0] =	sbarrier.arrive $0xFFFF  }
0x3b: {  	s29 =	rddreg [dreg:$0x9]  }
0x3c: {  	[tilespmem:s2], [sflag:$0x1] =	stream.linear.gather [hbm4b:s29+s2], $0x40, $0x38;
	[tilespmem:$0x1FA80] =	vst v63  }
0x3d: {  	s30 =	rddreg [dreg:$0xa]  }
0x3e: {  	[tilespmem:s22], [sflag:$0x1] =	stream.linear.gather [hbm4b:s30+s2], $0x40, $0x38;
	[tilespmem:$0x1FA80] =	vst v63  }
0x3f: {  	_ =	swait.ge [sflag:s23], $0x40  }
0x40: {  	[sflag:s23] =	ssyncset.done $0x0  }
0x41: {  	[sflag:s23] =	ssyncadd.s32 $0xFFFFFFC0  }
0x42: {  	_ =	swait.ge [sflag:s23], $0x40  }
0x43: {  	[sflag:s23] =	ssyncset.done $0x0  }
0x44: {  	[sflag:s23] =	ssyncadd.s32 $0xFFFFFFC0  }
0x45: {  	v7 =	vld [tilespmem:$0x0];
	_ =	sdelay $0x4  }
0x46: {  	v8 =	vshll.u32 v7, $0x1  }
0x47: {  	v7 =	vand.u32 $0x7, v7;
	v8 =	vand.u32 $0xFFFFFFF0, v8  }
0x48: {  	v7 =	vor.u32 v7, v8  }
0x49: {  	v8 =	vperm.xlane v7, v3;
	_ =	sdelay $0x1  }
0x4a: {  	v7 =	vperm.xlane v7, v5;
	v8 =	vadd.s32 v4, v8;
	_ =	sdelay $0x1  }
0x4b: {  	v7 =	vadd.s32 v4, v7;
	_ =	sdelay $0x1  }
0x4c: {  	s31 =	simm.s32 $0x200  }
0x4d: {  	[tilespmem:s31], [sflag:$0x1] =	stream.indirect_vreg.gather [hbm4b:s3+s2], $0x80, v8, vm0, $0xb8;
	[tilespmem:$0x1FA80] =	vst v63  }
0x4e: {  	s8 =	simm.s32 $0xA00  }
0x4f: {  	[tilespmem:s8], [sflag:$0x1] =	stream.indirect_vreg.gather [hbm4b:s3+s2], $0x80, v7, vm0, $0xb8;
	[tilespmem:$0x1FA80] =	vst v63  }
0x50: {  	v7 =	vld [tilespmem:$0x10];
	_ =	sdelay $0x4  }
0x51: {  	v8 =	vshll.u32 v7, $0x1  }
0x52: {  	v7 =	vand.u32 $0x7, v7;
	v8 =	vand.u32 $0xFFFFFFF0, v8  }
0x53: {  	v7 =	vor.u32 v7, v8  }
0x54: {  	v8 =	vperm.xlane v7, v3;
	_ =	sdelay $0x1  }
0x55: {  	v7 =	vperm.xlane v7, v5;
	v8 =	vadd.s32 v4, v8;
	_ =	sdelay $0x1  }
0x56: {  	v7 =	vadd.s32 v4, v7;
	_ =	sdelay $0x1  }
0x57: {  	s10 =	simm.s32 $0x1200  }
0x58: {  	[tilespmem:s10], [sflag:$0x1] =	stream.indirect_vreg.gather [hbm4b:s3+s2], $0x80, v8, vm0, $0xb8;
	[tilespmem:$0x1FA80] =	vst v63  }
0x59: {  	s13 =	simm.s32 $0x1A00  }
0x5a: {  	[tilespmem:s13], [sflag:$0x1] =	stream.indirect_vreg.gather [hbm4b:s3+s2], $0x80, v7, vm0, $0xb8;
	[tilespmem:$0x1FA80] =	vst v63  }
0x5b: {  	v7 =	vld [tilespmem:$0x20];
	_ =	sdelay $0x4  }
0x5c: {  	v8 =	vshll.u32 v7, $0x1  }
0x5d: {  	v7 =	vand.u32 $0x7, v7;
	v8 =	vand.u32 $0xFFFFFFF0, v8  }
0x5e: {  	v7 =	vor.u32 v7, v8  }
0x5f: {  	v8 =	vperm.xlane v7, v3;
	_ =	sdelay $0x1  }
0x60: {  	v7 =	vperm.xlane v7, v5;
	v8 =	vadd.s32 v4, v8;
	_ =	sdelay $0x1  }
0x61: {  	v7 =	vadd.s32 v4, v7;
	_ =	sdelay $0x1  }
0x62: {  	s14 =	simm.s32 $0x2200  }
0x63: {  	[tilespmem:s14], [sflag:$0x1] =	stream.indirect_vreg.gather [hbm4b:s3+s2], $0x80, v8, vm0, $0xb8;
	[tilespmem:$0x1FA80] =	vst v63  }
0x64: {  	s17 =	simm.s32 $0x2A00  }
0x65: {  	[tilespmem:s17], [sflag:$0x1] =	stream.indirect_vreg.gather [hbm4b:s3+s2], $0x80, v7, vm0, $0xb8;
	[tilespmem:$0x1FA80] =	vst v63  }
0x66: {  	v7 =	vld [tilespmem:$0x30];
	_ =	sdelay $0x4  }
0x67: {  	v8 =	vshll.u32 v7, $0x1  }
0x68: {  	v7 =	vand.u32 $0x7, v7;
	v8 =	vand.u32 $0xFFFFFFF0, v8  }
0x69: {  	v7 =	vor.u32 v7, v8  }
0x6a: {  	v8 =	vperm.xlane v7, v3;
	_ =	sdelay $0x1  }
0x6b: {  	v7 =	vperm.xlane v7, v5;
	v8 =	vadd.s32 v4, v8;
	_ =	sdelay $0x1  }
0x6c: {  	v7 =	vadd.s32 v4, v7;
	_ =	sdelay $0x1  }
0x6d: {  	s29 =	simm.s32 $0x3200  }
0x6e: {  	[tilespmem:s29], [sflag:$0x1] =	stream.indirect_vreg.gather [hbm4b:s3+s2], $0x80, v8, vm0, $0xb8;
	[tilespmem:$0x1FA80] =	vst v63  }
0x6f: {  	s30 =	simm.s32 $0x3A00  }
0x70: {  	[tilespmem:s30], [sflag:$0x1] =	stream.indirect_vreg.gather [hbm4b:s3+s2], $0x80, v7, vm0, $0xb8;
	[tilespmem:$0x1FA80] =	vst v63  }
0x71: {  	s28 =	simm.s32 $0x0;
	s31 =	rddreg [dreg:$0xb]  }
0x72: {  	[tilespmem:s6], [sflag:$0x1] =	stream.linear.gather [hbm4b:s31+s2], $0x2000, $0x38;
	[tilespmem:$0x1FA80] =	vst v63  }
.LBB2_2:
0x73: {  	s0 =	sshll.u32 s28, $0x6  }
0x74: {  	s8 =	sor.u32 s15, s0  }
0x75: {  	s10 =	sshll.u32 s8, $0x3  }
0x76: {  	s14 =	simm.s32 $0x100;
	s0 =	simm.s32 $0x0;
	s13 =	sadd.s32 s5, s10  }
0x77: {  	[tilespmem:s14], [sflag:$0x2] =	stream.linear.gather [hbm4b:s13+s0], $0x40, $0x38;
	[tilespmem:$0x1FA80] =	vst v63  }
0x78: {  	s10 =	sadd.s32 s10, s16  }
0x79: {  	[tilespmem:s11], [sflag:$0x2] =	stream.linear.gather [hbm4b:s10+s0], $0x40, $0x38;
	[tilespmem:$0x1FA80] =	vst v63  }
0x7a: {  	_ =	swait.ge [sflag:s12], $0x40  }
0x7b: {  	[sflag:s12] =	ssyncset.done $0x0  }
0x7c: {  	[sflag:s12] =	ssyncadd.s32 $0xFFFFFFC0  }
0x7d: {  	_ =	swait.ge [sflag:s12], $0x40  }
0x7e: {  	[sflag:s12] =	ssyncset.done $0x0  }
0x7f: {  	[sflag:s12] =	ssyncadd.s32 $0xFFFFFFC0  }
0x80: {  	v7 =	vld [tilespmem:$0x100];
	_ =	sdelay $0x4  }
0x81: {  	v8 =	vshll.u32 v7, $0x1  }
0x82: {  	v7 =	vand.u32 $0x7, v7;
	v8 =	vand.u32 $0xFFFFFFF0, v8  }
0x83: {  	v7 =	vor.u32 v7, v8  }
0x84: {  	v8 =	vperm.xlane v7, v3;
	_ =	sdelay $0x1  }
0x85: {  	v7 =	vperm.xlane v7, v5;
	v8 =	vadd.s32 v4, v8;
	_ =	sdelay $0x1  }
0x86: {  	v7 =	vadd.s32 v4, v7;
	_ =	sdelay $0x1  }
0x87: {  	s14 =	simm.s32 $0x4200  }
0x88: {  	[tilespmem:s14], [sflag:$0x2] =	stream.indirect_vreg.gather [hbm4b:s3+s0], $0x80, v8, vm0, $0xb8;
	[tilespmem:$0x1FA80] =	vst v63  }
0x89: {  	s17 =	simm.s32 $0x4A00  }
0x8a: {  	[tilespmem:s17], [sflag:$0x2] =	stream.indirect_vreg.gather [hbm4b:s3+s0], $0x80, v7, vm0, $0xb8;
	[tilespmem:$0x1FA80] =	vst v63  }
0x8b: {  	v7 =	vld [tilespmem:$0x110];
	_ =	sdelay $0x4  }
0x8c: {  	v8 =	vshll.u32 v7, $0x1  }
0x8d: {  	v7 =	vand.u32 $0x7, v7;
	v8 =	vand.u32 $0xFFFFFFF0, v8  }
0x8e: {  	v7 =	vor.u32 v7, v8  }
0x8f: {  	v8 =	vperm.xlane v7, v3;
	_ =	sdelay $0x1  }
0x90: {  	v7 =	vperm.xlane v7, v5;
	v8 =	vadd.s32 v4, v8;
	_ =	sdelay $0x1  }
0x91: {  	v7 =	vadd.s32 v4, v7;
	_ =	sdelay $0x1  }
0x92: {  	s13 =	simm.s32 $0x5200  }
0x93: {  	[tilespmem:s13], [sflag:$0x2] =	stream.indirect_vreg.gather [hbm4b:s3+s0], $0x80, v8, vm0, $0xb8;
	[tilespmem:$0x1FA80] =	vst v63  }
0x94: {  	_ = 	snop  }
0x95: {  	[tilespmem:s18], [sflag:$0x2] =	stream.indirect_vreg.gather [hbm4b:s3+s0], $0x80, v7, vm0, $0xb8;
	[tilespmem:$0x1FA80] =	vst v63  }
0x96: {  	v7 =	vld [tilespmem:$0x120];
	_ =	sdelay $0x4  }
0x97: {  	v8 =	vshll.u32 v7, $0x1  }
0x98: {  	v7 =	vand.u32 $0x7, v7;
	v8 =	vand.u32 $0xFFFFFFF0, v8  }
0x99: {  	v7 =	vor.u32 v7, v8  }
0x9a: {  	v8 =	vperm.xlane v7, v3;
	_ =	sdelay $0x1  }
0x9b: {  	v7 =	vperm.xlane v7, v5;
	v8 =	vadd.s32 v4, v8;
	_ =	sdelay $0x1  }
0x9c: {  	v7 =	vadd.s32 v4, v7;
	_ =	sdelay $0x2  }
0x9d: {  	[tilespmem:s19], [sflag:$0x2] =	stream.indirect_vreg.gather [hbm4b:s3+s0], $0x80, v8, vm0, $0xb8;
	[tilespmem:$0x1FA80] =	vst v63  }
0x9e: {  	_ = 	snop  }
0x9f: {  	[tilespmem:s20], [sflag:$0x2] =	stream.indirect_vreg.gather [hbm4b:s3+s0], $0x80, v7, vm0, $0xb8;
	[tilespmem:$0x1FA80] =	vst v63  }
0xa0: {  	v7 =	vld [tilespmem:$0x130];
	_ =	sdelay $0x4  }
0xa1: {  	v8 =	vshll.u32 v7, $0x1  }
0xa2: {  	v7 =	vand.u32 $0x7, v7;
	v8 =	vand.u32 $0xFFFFFFF0, v8  }
0xa3: {  	v7 =	vor.u32 v7, v8  }
0xa4: {  	v8 =	vperm.xlane v7, v3;
	_ =	sdelay $0x1  }
0xa5: {  	v7 =	vperm.xlane v7, v5;
	v8 =	vadd.s32 v4, v8;
	_ =	sdelay $0x1  }
0xa6: {  	v7 =	vadd.s32 v4, v7;
	_ =	sdelay $0x2  }
0xa7: {  	[tilespmem:s7], [sflag:$0x2] =	stream.indirect_vreg.gather [hbm4b:s3+s0], $0x80, v8, vm0, $0xb8;
	[tilespmem:$0x1FA80] =	vst v63  }
0xa8: {  	s8 =	sshll.u32 s8, $0xA  }
0xa9: {  	[tilespmem:s24], [sflag:$0x2] =	stream.indirect_vreg.gather [hbm4b:s3+s0], $0x80, v7, vm0, $0xb8;
	[tilespmem:$0x1FA80] =	vst v63  }
0xaa: {  	s8 =	sadd.s32 s4, s8  }
0xab: {  	[tilespmem:s25], [sflag:$0x2] =	stream.linear.gather [hbm4b:s8+s0], $0x2000, $0x38;
	[tilespmem:$0x1FA80] =	vst v63  }
0xac: {  	_ =	swait.ge [sflag:s23], $0x4000  }
0xad: {  	[sflag:s23] =	ssyncset.done $0x0  }
0xae: {  	[sflag:s23] =	ssyncadd.s32 $0xFFFFC000  }
0xaf: {  	_ =	swait.ge [sflag:s23], $0x2000  }
0xb0: {  	[sflag:s23] =	ssyncset.done $0x0  }
0xb1: {  	s29 =	simm.s32 $0x8240;
	[sflag:s23] =	ssyncadd.s32 $0xFFFFE000  }
0xb2: {  	s14 =	sand.u32 $0x3800, s0;
	s0 =	sand.u32 $0x380, s0;
	v24 =	vld [tilespmem:s29+$0xFFFFFFC0]  }
0xb3: {  	s0 =	sor.u32 s0, s14;
	v9 =	vld [tilespmem:s29+$0xFFFFFFD0]  }
0xb4: {  	v7 =	vld [tilespmem:s0+$0x200]  }
0xb5: {  	v8 =	vld [tilespmem:s0+$0x210]  }
0xb6: {  	v13 =	vld [tilespmem:s29+$0xFFFFFFE0]  }
0xb7: {  	v11 =	vld [tilespmem:s0+$0x220]  }
0xb8: {  	v10 =	vld [tilespmem:s29+$0xFFFFFFF0]  }
0xb9: {  	v12 =	vld [tilespmem:s0+$0x230]  }
0xba: {  	v14 =	vld [tilespmem:s29+$0x0];
	v15 =	vmul.f32 v7, v24;
	v8 =	vmul.f32 v8, v9  }
0xbb: {  	v16 =	vld [tilespmem:s0+$0x240]  }
0xbc: {  	v17 =	vld [tilespmem:s0+$0x250];
	v11 =	vmul.f32 v11, v13;
	v15 =	vadd.f32 v8, v15  }
0xbd: {  	v7 =	vld [tilespmem:s29+$0x10]  }
0xbe: {  	v12 =	vmul.f32 v12, v10;
	v8 =	vld [tilespmem:s29+$0x20];
	v11 =	vadd.f32 v11, v15  }
0xbf: {  	v15 =	vld [tilespmem:s0+$0x260]  }
0xc0: {  	v25 =	vld [tilespmem:s29+$0x30];
	v11 =	vadd.f32 v12, v11;
	v12 =	vmul.f32 v16, v14  }
0xc1: {  	v16 =	vld [tilespmem:s0+$0x270]  }
0xc2: {  	v11 =	vadd.f32 v12, v11;
	v12 =	vmul.f32 v17, v7;
	_ =	sdelay $0x1  }
0xc3: {  	v11 =	vadd.f32 v12, v11;
	v12 =	vmul.f32 v15, v8;
	_ =	sdelay $0x1  }
0xc4: {  	s17 =	simm.s32 $0x80;
	s13 =	simm.s32 $0x100;
	v11 =	vadd.f32 v12, v11;
	v12 =	vmul.f32 v16, v25  }
0xc5: {  	s10 =	sand.u32 $0x3800, s13;
	s8 =	sand.u32 $0x380, s17  }
0xc6: {  	s10 =	sor.u32 s8, s10;
	v11 =	vadd.f32 v12, v11  }
0xc7: {  	v18 =	vld [tilespmem:s10+$0x200]  }
0xc8: {  	v20 =	vld [tilespmem:s10+$0x210];
	v16 =	vperm.xlane v11, v0  }
0xc9: {  	s30 =	simm.s32 $0x82C0;
	v21 =	vld [tilespmem:s10+$0x220]  }
0xca: {  	v15 =	vld [tilespmem:s30+$0xFFFFFFD0];
	v16 =	vadd.f32 v11, v16  }
0xcb: {  	v12 =	vld [tilespmem:s30+$0xFFFFFFC0]  }
0xcc: {  	v22 =	vld [tilespmem:s10+$0x230];
	v19 =	vperm.xlane v16, v1  }
0xcd: {  	v11 =	vld [tilespmem:s30+$0xFFFFFFE0]  }
0xce: {  	v27 =	vld [tilespmem:s10+$0x240];
	v16 =	vadd.f32 v16, v19  }
0xcf: {  	v17 =	vld [tilespmem:s30+$0xFFFFFFF0];
	v23 =	vmul.f32 v20, v15  }
0xd0: {  	v29 =	vld [tilespmem:s10+$0x260];
	v18 =	vmul.f32 v18, v12;
	v26 =	vperm.xlane v16, v2  }
0xd1: {  	v19 =	vld [tilespmem:s30+$0x0]  }
0xd2: {  	v20 =	vld [tilespmem:s30+$0x10];
	v23 =	vadd.f32 v23, v18;
	v21 =	vmul.f32 v21, v11;
	v16 =	vadd.f32 v16, v26  }
0xd3: {  	v26 =	vld [tilespmem:s10+$0x250]  }
0xd4: {  	v30 =	vld [tilespmem:s0+$0x670];
	v22 =	vmul.f32 v22, v17;
	v23 =	vadd.f32 v21, v23;
	v28 =	vperm.xlane v16, v6  }
0xd5: {  	v18 =	vld [tilespmem:s30+$0x20]  }
0xd6: {  	v21 =	vld [tilespmem:s30+$0x30];
	v23 =	vadd.f32 v22, v23;
	v27 =	vmul.f32 v27, v19;
	v16 =	vadd.f32 v16, v28  }
0xd7: {  	v28 =	vld [tilespmem:s10+$0x270]  }
0xd8: {  	v27 =	vadd.f32 v27, v23;
	v26 =	vmul.f32 v26, v20;
	(erf) = vrcp.f32 v16  }
0xd9: {  	v31 =	vld [tilespmem:s0+$0x600]  }
0xda: {  	s31 =	simm.s32 $0x8340;
	v30 =	vmul.f32 v30, v25;
	v25 =	vld [tilespmem:s0+$0x650];
	v26 =	vadd.f32 v26, v27;
	v27 =	vmul.f32 v29, v18  }
0xdb: {  	v22 =	vld [tilespmem:s31+$0xFFFFFFE0]  }
0xdc: {  	v23 =	vld [tilespmem:s31+$0xFFFFFFD0];
	v26 =	vadd.f32 v27, v26;
	v27 =	vmul.f32 v28, v21  }
0xdd: {  	v29 =	vld [tilespmem:s0+$0x610]  }
0xde: {  	v28 =	vld [tilespmem:s0+$0x620];
	v32 =	vadd.f32 v27, v26  }
0xdf: {  	s13 =	simm.s32 $0x200;
	s14 =	simm.s32 $0x100;
	v26 =	vld [tilespmem:s0+$0x630]  }
0xe0: {  	s17 =	sand.u32 $0x3800, s13;
	s8 =	sand.u32 $0x380, s14;
	v27 =	vld [tilespmem:s0+$0x640];
	v33 =	vperm.xlane v32, v0  }
0xe1: {  	s14 =	simm.s32 $0x180;
	s8 =	sor.u32 s8, s17;
	v31 =	vmul.f32 v31, v24;
	v16 =	vld [tilespmem:s31+$0xFFFFFFC0];
	v24 =	vpop (erf)  }
.LBB2_3:
0xe2: {  	p2 =	sne.s32 s14, $0x1F80;
	v34 =	vld [tilespmem:s8+$0x200];
	v32 =	vadd.f32 v32, v33;
	v29 =	vmul.f32 v29, v9;
	v30 =	vmul.f32 v24, v30;
	v9 =	vmovc v15  }
0xe3: {  	v15 =	vmovc v23;
	v33 =	vld [tilespmem:s8+$0x210];
	v28 =	vmul.f32 v28, v13;
	v31 =	vmul.f32 v24, v31;
	v13 =	vmovc v11;
	v11 =	vmov v22  }
0xe4: {  	v22 =	vperm.xlane v32, v1;
	v23 =	vmul.f32 v26, v10;
	v26 =	vld [tilespmem:s0+$0x660];
	[tilespmem:s29+$0x30] =	vst v30;
	v10 =	vmov v17;
	s0 =	smov.u32 s10;
	s10 =	smov.u32 s8  }
0xe5: {  	v29 =	vmul.f32 v24, v29;
	v30 =	vld [tilespmem:s10+$0x220];
	v27 =	vmul.f32 v27, v14;
	[tilespmem:s29+$0xFFFFFFC0] =	vst v31;
	v14 =	vmov v19  }
0xe6: {  	v28 =	vmul.f32 v24, v28;
	v17 =	vld [tilespmem:s31+$0xFFFFFFF0];
	v22 =	vadd.f32 v32, v22;
	v25 =	vmul.f32 v25, v7;
	v7 =	vmovc v20  }
0xe7: {  	v20 =	vmul.f32 v24, v23;
	v31 =	vmul.f32 v34, v16;
	v32 =	vld [tilespmem:s10+$0x230];
	[tilespmem:s29+$0xFFFFFFD0] =	vst v29  }
0xe8: {  	v19 =	vld [tilespmem:s31+$0x0];
	v23 =	vmul.f32 v33, v15;
	v29 =	vperm.xlane v22, v2;
	[tilespmem:s29+$0xFFFFFFE0] =	vst v28  }
0xe9: {  	v27 =	vmul.f32 v24, v27;
	v28 =	vld [tilespmem:s10+$0x240];
	v26 =	vmul.f32 v26, v8;
	[tilespmem:s29+$0xFFFFFFF0] =	vst v20;
	v8 =	vmov v18  }
0xea: {  	v20 =	vld [tilespmem:s31+$0x10];
	v23 =	vadd.f32 v23, v31;
	v30 =	vmul.f32 v30, v11;
	v22 =	vadd.f32 v22, v29  }
0xeb: {  	v25 =	vmul.f32 v24, v25;
	v29 =	vld [tilespmem:s10+$0x250];
	[tilespmem:s29+$0x0] =	vst v27;
	v24 =	vmul.f32 v24, v26  }
0xec: {  	v18 =	vld [tilespmem:s31+$0x20];
	v23 =	vadd.f32 v30, v23;
	v26 =	vmul.f32 v32, v17;
	v27 =	vperm.xlane v22, v6  }
0xed: {  	v30 =	vld [tilespmem:s10+$0x260];
	[tilespmem:s29+$0x10] =	vst v25  }
0xee: {  	v25 =	vld [tilespmem:s31+$0x30];
	v23 =	vadd.f32 v26, v23;
	v26 =	vmul.f32 v28, v19;
	v27 =	vadd.f32 v22, v27;
	[tilespmem:s29+$0x20] =	vst v24;
	s29 =	smov.u32 s30;
	s30 =	smov.u32 s31  }
0xef: {  	s31 =	sadd.s32 $0x80, s31;
	v24 =	vld [tilespmem:s10+$0x270]  }
0xf0: {  	v22 =	vld [tilespmem:s31+$0xFFFFFFE0];
	v26 =	vadd.f32 v26, v23;
	v28 =	vmul.f32 v29, v20;
	(erf) = vrcp.f32 v27  }
0xf1: {  	v34 =	vld [tilespmem:s31+$0xFFFFFFC0]  }
0xf2: {  	v23 =	vld [tilespmem:s31+$0xFFFFFFD0];
	v26 =	vadd.f32 v28, v26;
	v27 =	vmul.f32 v30, v18  }
0xf3: {  	v30 =	vld [tilespmem:s0+$0x670]  }
0xf4: {  	v26 =	vadd.f32 v27, v26;
	v24 =	vmul.f32 v24, v25;
	v31 =	vld [tilespmem:s0+$0x600]  }
.Ltmp2:
0xf5: {  	v29 =	vld [tilespmem:s0+$0x610];
	(pc) =	sbr.rel @p2 .LBB2_3-.Ltmp2, $4  }
0xf6: {  	v32 =	vadd.f32 v24, v26;
	v28 =	vld [tilespmem:s0+$0x620]  }
0xf7: {  	s13 =	sadd.s32 $0x100, s13;
	v26 =	vld [tilespmem:s0+$0x630]  }
0xf8: {  	s17 =	sand.u32 $0x380, s14;
	s8 =	sand.u32 $0x3800, s13;
	v33 =	vperm.xlane v32, v0;
	v27 =	vld [tilespmem:s0+$0x640];
	v30 =	vmul.f32 v30, v21;
	v21 =	vmov v25  }
0xf9: {  	s14 =	sadd.s32 $0x80, s14;
	s8 =	sor.u32 s17, s8;
	v31 =	vmul.f32 v31, v12;
	v25 =	vld [tilespmem:s0+$0x650];
	v24 =	vpop (erf);
	v12 =	vmov v16;
	v16 =	vmov v34  }
0xfa: {  	v34 =	vld [tilespmem:s8+$0x200]  }
0xfb: {  	v35 =	vld [tilespmem:s8+$0x210];
	_ =	sdelay $0x1  }
0xfc: {  	v36 =	vld [tilespmem:s8+$0x220]  }
0xfd: {  	v37 =	vld [tilespmem:s31+$0xFFFFFFF0]  }
0xfe: {  	v38 =	vld [tilespmem:s8+$0x230]  }
0xff: {  	v39 =	vld [tilespmem:s31+$0x0];
	v34 =	vmul.f32 v34, v16;
	v35 =	vmul.f32 v35, v23  }
0x100: {  	v40 =	vld [tilespmem:s8+$0x240]  }
0x101: {  	v41 =	vld [tilespmem:s31+$0x10];
	v47 =	vmul.f32 v36, v22;
	v34 =	vadd.f32 v35, v34  }
0x102: {  	v48 =	vld [tilespmem:s8+$0x250]  }
0x103: {  	v42 =	vld [tilespmem:s31+$0x20];
	v49 =	vmul.f32 v38, v37;
	v34 =	vadd.f32 v47, v34  }
0x104: {  	v50 =	vld [tilespmem:s8+$0x260]  }
0x105: {  	v43 =	vld [tilespmem:s31+$0x30];
	v51 =	vmul.f32 v40, v39;
	v34 =	vadd.f32 v49, v34  }
0x106: {  	v52 =	vld [tilespmem:s8+$0x270]  }
0x107: {  	v53 =	vmul.f32 v48, v41;
	v34 =	vadd.f32 v51, v34;
	_ =	sdelay $0x1  }
0x108: {  	v55 =	vmul.f32 v50, v42;
	v54 =	vadd.f32 v53, v34;
	_ =	sdelay $0x1  }
0x109: {  	v32 =	vadd.f32 v32, v33;
	v57 =	vmul.f32 v52, v43;
	v33 =	vadd.f32 v55, v54;
	_ =	sdelay $0x1  }
0x10a: {  	v56 =	vperm.xlane v32, v1;
	v33 =	vadd.f32 v57, v33;
	_ =	sdelay $0x1  }
0x10b: {  	v32 =	vadd.f32 v32, v56;
	v35 =	vperm.xlane v33, v0;
	_ =	sdelay $0x1  }
0x10c: {  	v34 =	vperm.xlane v32, v2;
	v33 =	vadd.f32 v33, v35;
	_ =	sdelay $0x1  }
0x10d: {  	v32 =	vadd.f32 v32, v34;
	v35 =	vperm.xlane v33, v1;
	_ =	sdelay $0x1  }
0x10e: {  	v34 =	vperm.xlane v32, v6;
	v33 =	vadd.f32 v33, v35;
	_ =	sdelay $0x1  }
0x10f: {  	v32 =	vadd.f32 v32, v34;
	v58 =	vperm.xlane v33, v2  }
0x110: {  	v9 =	vmul.f32 v29, v9;
	v59 =	vld [tilespmem:s0+$0x660]  }
0x111: {  	v30 =	vmul.f32 v24, v30;
	v61 =	vld [tilespmem:s10+$0x670];
	(erf) = vrcp.f32 v32;
	v60 =	vadd.f32 v33, v58  }
0x112: {  	v62 =	vld [tilespmem:s10+$0x600];
	v13 =	vmul.f32 v28, v13;
	v31 =	vmul.f32 v24, v31  }
0x113: {  	v45 =	vld [tilespmem:s10+$0x650];
	v10 =	vmul.f32 v26, v10;
	v63 =	vperm.xlane v60, v6  }
0x114: {  	v9 =	vmul.f32 v24, v9;
	v14 =	vmul.f32 v27, v14;
	v32 =	vld [tilespmem:s10+$0x610]  }
0x115: {  	v13 =	vmul.f32 v24, v13;
	v7 =	vmul.f32 v25, v7;
	v34 =	vld [tilespmem:s10+$0x620];
	v35 =	vadd.f32 v60, v63  }
0x116: {  	[tilespmem:s29+$0x30] =	vst v30;
	v8 =	vmul.f32 v59, v8;
	v36 =	vmul.f32 v24, v14;
	v38 =	vld [tilespmem:s10+$0x630]  }
0x117: {  	[tilespmem:s29+$0xFFFFFFC0] =	vst v31;
	v40 =	vld [tilespmem:s10+$0x640];
	v7 =	vmul.f32 v24, v7;
	(erf) = vrcp.f32 v35  }
0x118: {  	[tilespmem:s29+$0xFFFFFFE0] =	vst v13;
	v21 =	vmul.f32 v61, v21;
	v8 =	vmul.f32 v24, v8;
	v51 =	vld [tilespmem:s8+$0x600]  }
0x119: {  	v12 =	vmul.f32 v62, v12;
	[tilespmem:s29+$0x10] =	vst v7;
	v47 =	vld [tilespmem:s10+$0x660];
	v7 =	vmul.f32 v32, v15  }
0x11a: {  	v13 =	vmul.f32 v45, v20;
	[tilespmem:s29+$0x20] =	vst v8;
	v49 =	vld [tilespmem:s8+$0x670];
	v8 =	vmul.f32 v34, v11;
	v44 =	vpop (erf)  }
0x11b: {  	[tilespmem:s29+$0xFFFFFFD0] =	vst v9;
	v50 =	vmul.f32 v38, v17;
	v54 =	vld [tilespmem:s8+$0x630];
	v7 =	vmul.f32 v44, v7  }
0x11c: {  	v52 =	vld [tilespmem:s8+$0x610];
	[tilespmem:s29+$0x0] =	vst v36;
	v9 =	vmul.f32 v40, v19;
	v8 =	vmul.f32 v44, v8  }
0x11d: {  	v53 =	vld [tilespmem:s8+$0x620];
	v56 =	vmul.f32 v51, v16;
	[tilespmem:s30+$0xFFFFFFD0] =	vst v7;
	v7 =	vmul.f32 v44, v50  }
0x11e: {  	v55 =	vld [tilespmem:s8+$0x640];
	v9 =	vmul.f32 v44, v9;
	[tilespmem:s30+$0xFFFFFFE0] =	vst v8;
	v8 =	vmul.f32 v47, v18  }
0x11f: {  	v11 =	vmul.f32 v49, v43;
	[tilespmem:s30+$0xFFFFFFF0] =	vst v7;
	v7 =	vmul.f32 v44, v13  }
0x120: {  	v57 =	vld [tilespmem:s8+$0x650];
	v61 =	vmul.f32 v54, v37;
	[tilespmem:s30+$0x0] =	vst v9;
	v8 =	vmul.f32 v44, v8;
	v58 =	vpop (erf)  }
0x121: {  	v60 =	vld [tilespmem:s8+$0x660];
	[tilespmem:s30+$0x10] =	vst v7;
	v7 =	vmul.f32 v52, v23;
	v59 =	vmul.f32 v58, v11  }
0x122: {  	[tilespmem:s30+$0x20] =	vst v8;
	v8 =	vmul.f32 v53, v22;
	v9 =	vmul.f32 v58, v56  }
0x123: {  	v62 =	vmul.f32 v55, v39;
	v7 =	vmul.f32 v58, v7;
	[tilespmem:s31+$0x30] =	vst v59  }
0x124: {  	v33 =	vmul.f32 v24, v10;
	v8 =	vmul.f32 v58, v8;
	[tilespmem:s31+$0xFFFFFFC0] =	vst v9  }
0x125: {  	v63 =	vmul.f32 v57, v41;
	[tilespmem:s31+$0xFFFFFFD0] =	vst v7;
	v7 =	vmul.f32 v58, v61  }
0x126: {  	v10 =	vmul.f32 v58, v62;
	[tilespmem:s31+$0xFFFFFFE0] =	vst v8;
	v8 =	vmul.f32 v60, v42  }
0x127: {  	[tilespmem:s31+$0xFFFFFFF0] =	vst v7;
	v7 =	vmul.f32 v58, v63  }
0x128: {  	[tilespmem:s31+$0x0] =	vst v10;
	v8 =	vmul.f32 v58, v8  }
0x129: {  	[tilespmem:s31+$0x10] =	vst v7  }
0x12a: {  	v46 =	vmul.f32 v44, v21;
	[tilespmem:s31+$0x20] =	vst v8;
	s31 =	sshll.u32 s28, $0x1  }
0x12b: {  	[tilespmem:s29+$0xFFFFFFF0] =	vst v33;
	v48 =	vmul.f32 v44, v12;
	s0 =	sadd.s32 $0x2, s31  }
0x12c: {  	[tilespmem:s30+$0x30] =	vst v46;
	p2 =	sge.u32 s0, s9  }
.Ltmp3:
0x12d: {  	[tilespmem:s30+$0xFFFFFFC0] =	vst v48;
	(pc) =	sbr.rel @p2 .LBB2_6-.Ltmp3, $4  }
0x12e: {  	[spmem:s1] =	stream.indirect.scatter.add.f32 [tilespmem:s6], [sflag:$0x3], $0x80, s22, s26, $0xb8;
	[tilespmem:$0x1FA80] =	vst v63  }
0x12f: {  	_ =	swait.ge [sflag:s21], $0x2000  }
0x130: {  	[sflag:s21] =	ssyncset.done $0x0  }
0x131: {  	[sflag:s21] =	ssyncadd.s32 $0xFFFFE000  }
0x132: {  	s0 =	sshll.u32 s0, $0xB;
	s8 =	rddreg [dreg:$0x7]  }
0x133: {  	s0 =	sor.u32 s8, s0  }
0x134: {  	s8 =	sshrl.u32 s0, $0x3  }
0x135: {  	s8 =	sadd.s32 s5, s8  }
0x136: {  	[tilespmem:s2], [sflag:$0x1] =	stream.linear.gather [hbm4b:s8+s2], $0x40, $0x38;
	[tilespmem:$0x1FA80] =	vst v63  }
0x137: {  	s8 =	sadd.s32 $0x9C40, s8  }
0x138: {  	[tilespmem:s22], [sflag:$0x1] =	stream.linear.gather [hbm4b:s8+s2], $0x40, $0x38;
	[tilespmem:$0x1FA80] =	vst v63  }
0x139: {  	_ =	swait.ge [sflag:s23], $0x40  }
0x13a: {  	[sflag:s23] =	ssyncset.done $0x0  }
0x13b: {  	[sflag:s23] =	ssyncadd.s32 $0xFFFFFFC0  }
0x13c: {  	_ =	swait.ge [sflag:s23], $0x40  }
0x13d: {  	[sflag:s23] =	ssyncset.done $0x0  }
0x13e: {  	[sflag:s23] =	ssyncadd.s32 $0xFFFFFFC0  }
0x13f: {  	v7 =	vld [tilespmem:$0x0];
	_ =	sdelay $0x4  }
0x140: {  	v8 =	vshll.u32 v7, $0x1  }
0x141: {  	v7 =	vand.u32 $0x7, v7;
	v8 =	vand.u32 $0xFFFFFFF0, v8  }
0x142: {  	v7 =	vor.u32 v7, v8  }
0x143: {  	v8 =	vperm.xlane v7, v3;
	_ =	sdelay $0x1  }
0x144: {  	v7 =	vperm.xlane v7, v5;
	v8 =	vadd.s32 v4, v8;
	_ =	sdelay $0x1  }
0x145: {  	v7 =	vadd.s32 v4, v7;
	_ =	sdelay $0x1  }
0x146: {  	s31 =	simm.s32 $0x200  }
0x147: {  	[tilespmem:s31], [sflag:$0x1] =	stream.indirect_vreg.gather [hbm4b:s3+s2], $0x80, v8, vm0, $0xb8;
	[tilespmem:$0x1FA80] =	vst v63  }
0x148: {  	s10 =	simm.s32 $0xA00  }
0x149: {  	[tilespmem:s10], [sflag:$0x1] =	stream.indirect_vreg.gather [hbm4b:s3+s2], $0x80, v7, vm0, $0xb8;
	[tilespmem:$0x1FA80] =	vst v63  }
0x14a: {  	v7 =	vld [tilespmem:$0x10];
	_ =	sdelay $0x4  }
0x14b: {  	v8 =	vshll.u32 v7, $0x1  }
0x14c: {  	v7 =	vand.u32 $0x7, v7;
	v8 =	vand.u32 $0xFFFFFFF0, v8  }
0x14d: {  	v7 =	vor.u32 v7, v8  }
0x14e: {  	v8 =	vperm.xlane v7, v3;
	_ =	sdelay $0x1  }
0x14f: {  	v7 =	vperm.xlane v7, v5;
	v8 =	vadd.s32 v4, v8;
	_ =	sdelay $0x1  }
0x150: {  	v7 =	vadd.s32 v4, v7;
	_ =	sdelay $0x1  }
0x151: {  	s13 =	simm.s32 $0x1200  }
0x152: {  	[tilespmem:s13], [sflag:$0x1] =	stream.indirect_vreg.gather [hbm4b:s3+s2], $0x80, v8, vm0, $0xb8;
	[tilespmem:$0x1FA80] =	vst v63  }
0x153: {  	s14 =	simm.s32 $0x1A00  }
0x154: {  	[tilespmem:s14], [sflag:$0x1] =	stream.indirect_vreg.gather [hbm4b:s3+s2], $0x80, v7, vm0, $0xb8;
	[tilespmem:$0x1FA80] =	vst v63  }
0x155: {  	v7 =	vld [tilespmem:$0x20];
	_ =	sdelay $0x4  }
0x156: {  	v8 =	vshll.u32 v7, $0x1  }
0x157: {  	v7 =	vand.u32 $0x7, v7;
	v8 =	vand.u32 $0xFFFFFFF0, v8  }
0x158: {  	v7 =	vor.u32 v7, v8  }
0x159: {  	v8 =	vperm.xlane v7, v3;
	_ =	sdelay $0x1  }
0x15a: {  	v7 =	vperm.xlane v7, v5;
	v8 =	vadd.s32 v4, v8;
	_ =	sdelay $0x1  }
0x15b: {  	v7 =	vadd.s32 v4, v7;
	_ =	sdelay $0x1  }
0x15c: {  	s17 =	simm.s32 $0x2200  }
0x15d: {  	[tilespmem:s17], [sflag:$0x1] =	stream.indirect_vreg.gather [hbm4b:s3+s2], $0x80, v8, vm0, $0xb8;
	[tilespmem:$0x1FA80] =	vst v63  }
0x15e: {  	s29 =	simm.s32 $0x2A00  }
0x15f: {  	[tilespmem:s29], [sflag:$0x1] =	stream.indirect_vreg.gather [hbm4b:s3+s2], $0x80, v7, vm0, $0xb8;
	[tilespmem:$0x1FA80] =	vst v63  }
0x160: {  	v7 =	vld [tilespmem:$0x30];
	_ =	sdelay $0x4  }
0x161: {  	v8 =	vshll.u32 v7, $0x1  }
0x162: {  	v7 =	vand.u32 $0x7, v7;
	v8 =	vand.u32 $0xFFFFFFF0, v8  }
0x163: {  	v7 =	vor.u32 v7, v8  }
0x164: {  	v8 =	vperm.xlane v7, v3;
	_ =	sdelay $0x1  }
0x165: {  	v7 =	vperm.xlane v7, v5;
	v8 =	vadd.s32 v4, v8;
	_ =	sdelay $0x1  }
0x166: {  	v7 =	vadd.s32 v4, v7;
	_ =	sdelay $0x1  }
0x167: {  	s30 =	simm.s32 $0x3200  }
0x168: {  	[tilespmem:s30], [sflag:$0x1] =	stream.indirect_vreg.gather [hbm4b:s3+s2], $0x80, v8, vm0, $0xb8;
	[tilespmem:$0x1FA80] =	vst v63  }
0x169: {  	s0 =	sshll.u32 s0, $0x4;
	s31 =	simm.s32 $0x3A00  }
0x16a: {  	[tilespmem:s31], [sflag:$0x1] =	stream.indirect_vreg.gather [hbm4b:s3+s2], $0x80, v7, vm0, $0xb8;
	[tilespmem:$0x1FA80] =	vst v63  }
0x16b: {  	s0 =	sadd.s32 s4, s0  }
0x16c: {  	[tilespmem:s6], [sflag:$0x1] =	stream.linear.gather [hbm4b:s0+s2], $0x2000, $0x38;
	[tilespmem:$0x1FA80] =	vst v63  }
.LBB2_6:
0x16d: {  	_ =	swait.ge [sflag:s12], $0x4000  }
0x16e: {  	[sflag:s12] =	ssyncset.done $0x0  }
0x16f: {  	[sflag:s12] =	ssyncadd.s32 $0xFFFFC000  }
0x170: {  	_ =	swait.ge [sflag:s12], $0x2000  }
0x171: {  	[sflag:s12] =	ssyncset.done $0x0  }
0x172: {  	s0 =	simm.s32 $0x0;
	s29 =	simm.s32 $0xA240;
	[sflag:s12] =	ssyncadd.s32 $0xFFFFE000  }
0x173: {  	s8 =	sand.u32 $0x3800, s0;
	s0 =	sand.u32 $0x380, s0;
	v24 =	vld [tilespmem:s29+$0xFFFFFFC0]  }
0x174: {  	s0 =	sor.u32 s0, s8;
	v9 =	vld [tilespmem:s29+$0xFFFFFFD0]  }
0x175: {  	v7 =	vld [tilespmem:s0+$0x4200]  }
0x176: {  	v8 =	vld [tilespmem:s0+$0x4210]  }
0x177: {  	v13 =	vld [tilespmem:s29+$0xFFFFFFE0]  }
0x178: {  	v11 =	vld [tilespmem:s0+$0x4220]  }
0x179: {  	v10 =	vld [tilespmem:s29+$0xFFFFFFF0]  }
0x17a: {  	v12 =	vld [tilespmem:s0+$0x4230]  }
0x17b: {  	v14 =	vld [tilespmem:s29+$0x0];
	v15 =	vmul.f32 v7, v24;
	v8 =	vmul.f32 v8, v9  }
0x17c: {  	v16 =	vld [tilespmem:s0+$0x4240]  }
0x17d: {  	v17 =	vld [tilespmem:s0+$0x4250];
	v11 =	vmul.f32 v11, v13;
	v15 =	vadd.f32 v8, v15  }
0x17e: {  	v7 =	vld [tilespmem:s29+$0x10]  }
0x17f: {  	v12 =	vmul.f32 v12, v10;
	v8 =	vld [tilespmem:s29+$0x20];
	v11 =	vadd.f32 v11, v15  }
0x180: {  	v15 =	vld [tilespmem:s0+$0x4260]  }
0x181: {  	v25 =	vld [tilespmem:s29+$0x30];
	v11 =	vadd.f32 v12, v11;
	v12 =	vmul.f32 v16, v14  }
0x182: {  	v16 =	vld [tilespmem:s0+$0x4270]  }
0x183: {  	v11 =	vadd.f32 v12, v11;
	v12 =	vmul.f32 v17, v7;
	_ =	sdelay $0x1  }
0x184: {  	v11 =	vadd.f32 v12, v11;
	v12 =	vmul.f32 v15, v8;
	_ =	sdelay $0x1  }
0x185: {  	s14 =	simm.s32 $0x80;
	s10 =	simm.s32 $0x100;
	v11 =	vadd.f32 v12, v11;
	v12 =	vmul.f32 v16, v25  }
0x186: {  	s10 =	sand.u32 $0x3800, s10;
	s8 =	sand.u32 $0x380, s14  }
0x187: {  	s10 =	sor.u32 s8, s10;
	v11 =	vadd.f32 v12, v11  }
0x188: {  	v18 =	vld [tilespmem:s10+$0x4200]  }
0x189: {  	v20 =	vld [tilespmem:s10+$0x4210];
	v16 =	vperm.xlane v11, v0  }
0x18a: {  	s30 =	simm.s32 $0xA2C0;
	v21 =	vld [tilespmem:s10+$0x4220]  }
0x18b: {  	v15 =	vld [tilespmem:s30+$0xFFFFFFD0];
	v16 =	vadd.f32 v11, v16  }
0x18c: {  	v12 =	vld [tilespmem:s30+$0xFFFFFFC0]  }
0x18d: {  	v22 =	vld [tilespmem:s10+$0x4230];
	v19 =	vperm.xlane v16, v1  }
0x18e: {  	v11 =	vld [tilespmem:s30+$0xFFFFFFE0]  }
0x18f: {  	v27 =	vld [tilespmem:s10+$0x4240];
	v16 =	vadd.f32 v16, v19  }
0x190: {  	v17 =	vld [tilespmem:s30+$0xFFFFFFF0];
	v23 =	vmul.f32 v20, v15  }
0x191: {  	v29 =	vld [tilespmem:s10+$0x4260];
	v18 =	vmul.f32 v18, v12;
	v26 =	vperm.xlane v16, v2  }
0x192: {  	v19 =	vld [tilespmem:s30+$0x0]  }
0x193: {  	v20 =	vld [tilespmem:s30+$0x10];
	v23 =	vadd.f32 v23, v18;
	v21 =	vmul.f32 v21, v11;
	v16 =	vadd.f32 v16, v26  }
0x194: {  	v26 =	vld [tilespmem:s10+$0x4250]  }
0x195: {  	v30 =	vld [tilespmem:s0+$0x4670];
	v22 =	vmul.f32 v22, v17;
	v23 =	vadd.f32 v21, v23;
	v28 =	vperm.xlane v16, v6  }
0x196: {  	v18 =	vld [tilespmem:s30+$0x20]  }
0x197: {  	v21 =	vld [tilespmem:s30+$0x30];
	v23 =	vadd.f32 v22, v23;
	v27 =	vmul.f32 v27, v19;
	v16 =	vadd.f32 v16, v28  }
0x198: {  	v28 =	vld [tilespmem:s10+$0x4270]  }
0x199: {  	v27 =	vadd.f32 v27, v23;
	v26 =	vmul.f32 v26, v20;
	(erf) = vrcp.f32 v16  }
0x19a: {  	v31 =	vld [tilespmem:s0+$0x4600]  }
0x19b: {  	s31 =	simm.s32 $0xA340;
	v30 =	vmul.f32 v30, v25;
	v25 =	vld [tilespmem:s0+$0x4650];
	v26 =	vadd.f32 v26, v27;
	v27 =	vmul.f32 v29, v18  }
0x19c: {  	v22 =	vld [tilespmem:s31+$0xFFFFFFE0]  }
0x19d: {  	v23 =	vld [tilespmem:s31+$0xFFFFFFD0];
	v26 =	vadd.f32 v27, v26;
	v27 =	vmul.f32 v28, v21  }
0x19e: {  	v29 =	vld [tilespmem:s0+$0x4610]  }
0x19f: {  	v28 =	vld [tilespmem:s0+$0x4620];
	v32 =	vadd.f32 v27, v26  }
0x1a0: {  	s17 =	simm.s32 $0x100;
	s13 =	simm.s32 $0x200;
	v26 =	vld [tilespmem:s0+$0x4630]  }
0x1a1: {  	s14 =	sand.u32 $0x3800, s13;
	s8 =	sand.u32 $0x380, s17;
	v27 =	vld [tilespmem:s0+$0x4640];
	v33 =	vperm.xlane v32, v0  }
0x1a2: {  	s8 =	sor.u32 s8, s14;
	s14 =	simm.s32 $0x180;
	v31 =	vmul.f32 v31, v24;
	v16 =	vld [tilespmem:s31+$0xFFFFFFC0];
	v24 =	vpop (erf)  }
.LBB2_7:
0x1a3: {  	p2 =	sne.s32 s14, $0x1F80;
	v34 =	vld [tilespmem:s8+$0x4200];
	v32 =	vadd.f32 v32, v33;
	v29 =	vmul.f32 v29, v9;
	v30 =	vmul.f32 v24, v30;
	v9 =	vmovc v15  }
0x1a4: {  	v15 =	vmovc v23;
	v33 =	vld [tilespmem:s8+$0x4210];
	v28 =	vmul.f32 v28, v13;
	v31 =	vmul.f32 v24, v31;
	v13 =	vmovc v11;
	v11 =	vmov v22  }
0x1a5: {  	v22 =	vperm.xlane v32, v1;
	v23 =	vmul.f32 v26, v10;
	v26 =	vld [tilespmem:s0+$0x4660];
	[tilespmem:s29+$0x30] =	vst v30;
	v10 =	vmov v17;
	s0 =	smov.u32 s10;
	s10 =	smov.u32 s8  }
0x1a6: {  	v29 =	vmul.f32 v24, v29;
	v30 =	vld [tilespmem:s10+$0x4220];
	v27 =	vmul.f32 v27, v14;
	[tilespmem:s29+$0xFFFFFFC0] =	vst v31;
	v14 =	vmov v19  }
0x1a7: {  	v28 =	vmul.f32 v24, v28;
	v17 =	vld [tilespmem:s31+$0xFFFFFFF0];
	v22 =	vadd.f32 v32, v22;
	v25 =	vmul.f32 v25, v7;
	v7 =	vmovc v20  }
0x1a8: {  	v20 =	vmul.f32 v24, v23;
	v31 =	vmul.f32 v34, v16;
	v32 =	vld [tilespmem:s10+$0x4230];
	[tilespmem:s29+$0xFFFFFFD0] =	vst v29  }
0x1a9: {  	v19 =	vld [tilespmem:s31+$0x0];
	v23 =	vmul.f32 v33, v15;
	v29 =	vperm.xlane v22, v2;
	[tilespmem:s29+$0xFFFFFFE0] =	vst v28  }
0x1aa: {  	v27 =	vmul.f32 v24, v27;
	v28 =	vld [tilespmem:s10+$0x4240];
	v26 =	vmul.f32 v26, v8;
	[tilespmem:s29+$0xFFFFFFF0] =	vst v20;
	v8 =	vmov v18  }
0x1ab: {  	v20 =	vld [tilespmem:s31+$0x10];
	v23 =	vadd.f32 v23, v31;
	v30 =	vmul.f32 v30, v11;
	v22 =	vadd.f32 v22, v29  }
0x1ac: {  	v25 =	vmul.f32 v24, v25;
	v29 =	vld [tilespmem:s10+$0x4250];
	[tilespmem:s29+$0x0] =	vst v27;
	v24 =	vmul.f32 v24, v26  }
0x1ad: {  	v18 =	vld [tilespmem:s31+$0x20];
	v23 =	vadd.f32 v30, v23;
	v26 =	vmul.f32 v32, v17;
	v27 =	vperm.xlane v22, v6  }
0x1ae: {  	v30 =	vld [tilespmem:s10+$0x4260];
	[tilespmem:s29+$0x10] =	vst v25  }
0x1af: {  	v25 =	vld [tilespmem:s31+$0x30];
	v23 =	vadd.f32 v26, v23;
	v26 =	vmul.f32 v28, v19;
	v27 =	vadd.f32 v22, v27;
	[tilespmem:s29+$0x20] =	vst v24;
	s29 =	smov.u32 s30;
	s30 =	smov.u32 s31  }
0x1b0: {  	s31 =	sadd.s32 $0x80, s31;
	v24 =	vld [tilespmem:s10+$0x4270]  }
0x1b1: {  	v22 =	vld [tilespmem:s31+$0xFFFFFFE0];
	v26 =	vadd.f32 v26, v23;
	v28 =	vmul.f32 v29, v20;
	(erf) = vrcp.f32 v27  }
0x1b2: {  	v34 =	vld [tilespmem:s31+$0xFFFFFFC0]  }
0x1b3: {  	v23 =	vld [tilespmem:s31+$0xFFFFFFD0];
	v26 =	vadd.f32 v28, v26;
	v27 =	vmul.f32 v30, v18  }
0x1b4: {  	v30 =	vld [tilespmem:s0+$0x4670]  }
0x1b5: {  	v26 =	vadd.f32 v27, v26;
	v24 =	vmul.f32 v24, v25;
	v31 =	vld [tilespmem:s0+$0x4600]  }
.Ltmp4:
0x1b6: {  	v29 =	vld [tilespmem:s0+$0x4610];
	(pc) =	sbr.rel @p2 .LBB2_7-.Ltmp4, $4  }
0x1b7: {  	v32 =	vadd.f32 v24, v26;
	v28 =	vld [tilespmem:s0+$0x4620]  }
0x1b8: {  	s13 =	sadd.s32 $0x100, s13;
	v26 =	vld [tilespmem:s0+$0x4630]  }
0x1b9: {  	s17 =	sand.u32 $0x380, s14;
	s8 =	sand.u32 $0x3800, s13;
	v33 =	vperm.xlane v32, v0;
	v27 =	vld [tilespmem:s0+$0x4640];
	v30 =	vmul.f32 v30, v21;
	v21 =	vmov v25  }
0x1ba: {  	s14 =	sadd.s32 $0x80, s14;
	s8 =	sor.u32 s17, s8;
	v31 =	vmul.f32 v31, v12;
	v25 =	vld [tilespmem:s0+$0x4650];
	v24 =	vpop (erf);
	v12 =	vmov v16;
	v16 =	vmov v34  }
0x1bb: {  	v34 =	vld [tilespmem:s8+$0x4200]  }
0x1bc: {  	v35 =	vld [tilespmem:s8+$0x4210];
	_ =	sdelay $0x1  }
0x1bd: {  	v36 =	vld [tilespmem:s8+$0x4220]  }
0x1be: {  	v37 =	vld [tilespmem:s31+$0xFFFFFFF0]  }
0x1bf: {  	v38 =	vld [tilespmem:s8+$0x4230]  }
0x1c0: {  	v39 =	vld [tilespmem:s31+$0x0];
	v34 =	vmul.f32 v34, v16;
	v35 =	vmul.f32 v35, v23  }
0x1c1: {  	v40 =	vld [tilespmem:s8+$0x4240]  }
0x1c2: {  	v41 =	vld [tilespmem:s31+$0x10];
	v47 =	vmul.f32 v36, v22;
	v34 =	vadd.f32 v35, v34  }
0x1c3: {  	v48 =	vld [tilespmem:s8+$0x4250]  }
0x1c4: {  	v42 =	vld [tilespmem:s31+$0x20];
	v49 =	vmul.f32 v38, v37;
	v34 =	vadd.f32 v47, v34  }
0x1c5: {  	v50 =	vld [tilespmem:s8+$0x4260]  }
0x1c6: {  	v43 =	vld [tilespmem:s31+$0x30];
	v51 =	vmul.f32 v40, v39;
	v34 =	vadd.f32 v49, v34  }
0x1c7: {  	v52 =	vld [tilespmem:s8+$0x4270]  }
0x1c8: {  	v53 =	vmul.f32 v48, v41;
	v34 =	vadd.f32 v51, v34;
	_ =	sdelay $0x1  }
0x1c9: {  	v32 =	vadd.f32 v32, v33;
	v55 =	vmul.f32 v50, v42;
	v54 =	vadd.f32 v53, v34;
	_ =	sdelay $0x1  }
0x1ca: {  	v56 =	vperm.xlane v32, v1;
	v57 =	vmul.f32 v52, v43;
	v33 =	vadd.f32 v55, v54;
	_ =	sdelay $0x1  }
0x1cb: {  	v32 =	vadd.f32 v32, v56;
	v33 =	vadd.f32 v57, v33;
	_ =	sdelay $0x1  }
0x1cc: {  	v34 =	vperm.xlane v32, v2;
	v35 =	vperm.xlane v33, v0;
	_ =	sdelay $0x1  }
0x1cd: {  	v32 =	vadd.f32 v32, v34;
	v33 =	vadd.f32 v33, v35;
	_ =	sdelay $0x1  }
0x1ce: {  	v34 =	vperm.xlane v32, v6;
	v35 =	vperm.xlane v33, v1;
	_ =	sdelay $0x1  }
0x1cf: {  	v32 =	vadd.f32 v32, v34;
	v33 =	vadd.f32 v33, v35;
	_ =	sdelay $0x1  }
0x1d0: {  	(erf) = vrcp.f32 v32;
	v58 =	vperm.xlane v33, v2  }
0x1d1: {  	v9 =	vmul.f32 v29, v9;
	v59 =	vld [tilespmem:s0+$0x4660];
	v30 =	vmul.f32 v24, v30  }
0x1d2: {  	v61 =	vld [tilespmem:s10+$0x4670];
	v13 =	vmul.f32 v28, v13;
	v31 =	vmul.f32 v24, v31;
	v60 =	vadd.f32 v33, v58  }
0x1d3: {  	v10 =	vmul.f32 v26, v10;
	v9 =	vmul.f32 v24, v9  }
0x1d4: {  	v62 =	vld [tilespmem:s10+$0x4600];
	[tilespmem:s29+$0x30] =	vst v30;
	v14 =	vmul.f32 v27, v14;
	v63 =	vperm.xlane v60, v6  }
0x1d5: {  	[tilespmem:s29+$0xFFFFFFC0] =	vst v31;
	v13 =	vmul.f32 v24, v13;
	v7 =	vmul.f32 v25, v7;
	v32 =	vld [tilespmem:s10+$0x4610]  }
0x1d6: {  	[tilespmem:s29+$0xFFFFFFD0] =	vst v9;
	v8 =	vmul.f32 v59, v8;
	v36 =	vmul.f32 v24, v14;
	v34 =	vld [tilespmem:s10+$0x4620];
	v35 =	vadd.f32 v60, v63  }
0x1d7: {  	[tilespmem:s29+$0xFFFFFFE0] =	vst v13;
	v38 =	vld [tilespmem:s10+$0x4630];
	v21 =	vmul.f32 v61, v21;
	v7 =	vmul.f32 v24, v7  }
0x1d8: {  	v40 =	vld [tilespmem:s10+$0x4640];
	[tilespmem:s29+$0x0] =	vst v36;
	v8 =	vmul.f32 v24, v8;
	(erf) = vrcp.f32 v35  }
0x1d9: {  	v45 =	vld [tilespmem:s10+$0x4650];
	v12 =	vmul.f32 v62, v12;
	[tilespmem:s29+$0x10] =	vst v7;
	v33 =	vmul.f32 v24, v10;
	v44 =	vpop (erf)  }
0x1da: {  	v47 =	vld [tilespmem:s10+$0x4660];
	[tilespmem:s29+$0x20] =	vst v8;
	v7 =	vmul.f32 v32, v15;
	v46 =	vmul.f32 v44, v21  }
0x1db: {  	v49 =	vld [tilespmem:s8+$0x4670];
	v8 =	vmul.f32 v34, v11;
	[tilespmem:s29+$0xFFFFFFF0] =	vst v33;
	v48 =	vmul.f32 v44, v12  }
0x1dc: {  	v50 =	vmul.f32 v38, v17;
	v51 =	vld [tilespmem:s8+$0x4600];
	v7 =	vmul.f32 v44, v7;
	[tilespmem:s30+$0x30] =	vst v46  }
0x1dd: {  	v52 =	vld [tilespmem:s8+$0x4610];
	v9 =	vmul.f32 v40, v19;
	v8 =	vmul.f32 v44, v8;
	[tilespmem:s30+$0xFFFFFFC0] =	vst v48  }
0x1de: {  	v13 =	vmul.f32 v45, v20;
	v53 =	vld [tilespmem:s8+$0x4620];
	[tilespmem:s30+$0xFFFFFFD0] =	vst v7;
	v7 =	vmul.f32 v44, v50  }
0x1df: {  	v54 =	vld [tilespmem:s8+$0x4630];
	v9 =	vmul.f32 v44, v9;
	[tilespmem:s30+$0xFFFFFFE0] =	vst v8;
	v8 =	vmul.f32 v47, v18  }
0x1e0: {  	v55 =	vld [tilespmem:s8+$0x4640];
	v11 =	vmul.f32 v49, v43;
	[tilespmem:s30+$0xFFFFFFF0] =	vst v7;
	v7 =	vmul.f32 v44, v13  }
0x1e1: {  	v56 =	vmul.f32 v51, v16;
	v57 =	vld [tilespmem:s8+$0x4650];
	[tilespmem:s30+$0x0] =	vst v9;
	v8 =	vmul.f32 v44, v8;
	v58 =	vpop (erf)  }
0x1e2: {  	v60 =	vld [tilespmem:s8+$0x4660];
	[tilespmem:s30+$0x10] =	vst v7;
	v7 =	vmul.f32 v52, v23;
	v59 =	vmul.f32 v58, v11  }
0x1e3: {  	[tilespmem:s30+$0x20] =	vst v8;
	v8 =	vmul.f32 v53, v22;
	v9 =	vmul.f32 v58, v56  }
0x1e4: {  	v61 =	vmul.f32 v54, v37;
	v7 =	vmul.f32 v58, v7;
	[tilespmem:s31+$0x30] =	vst v59  }
0x1e5: {  	v62 =	vmul.f32 v55, v39;
	v8 =	vmul.f32 v58, v8;
	[tilespmem:s31+$0xFFFFFFC0] =	vst v9  }
0x1e6: {  	v63 =	vmul.f32 v57, v41;
	[tilespmem:s31+$0xFFFFFFD0] =	vst v7;
	v7 =	vmul.f32 v58, v61  }
0x1e7: {  	v10 =	vmul.f32 v58, v62;
	[tilespmem:s31+$0xFFFFFFE0] =	vst v8;
	v8 =	vmul.f32 v60, v42  }
0x1e8: {  	[tilespmem:s31+$0xFFFFFFF0] =	vst v7;
	v7 =	vmul.f32 v58, v63  }
0x1e9: {  	s28 =	sadd.s32 $0x1, s28;
	[tilespmem:s31+$0x0] =	vst v10;
	v8 =	vmul.f32 v58, v8  }
0x1ea: {  	p2 =	sne.s32 s28, $0x4E;
	[tilespmem:s31+$0x10] =	vst v7  }
.Ltmp5:
0x1eb: {  	[tilespmem:s31+$0x20] =	vst v8;
	(pc) =	sbr.rel @p2 .LBB2_2-.Ltmp5, $4  }
0x1ec: {  	[spmem:s1] =	stream.indirect.scatter.add.f32 [tilespmem:s25], [sflag:$0x3], $0x80, s11, s26, $0xb8;
	[tilespmem:$0x1FA80] =	vst v63  }
0x1ed: {  	_ =	swait.ge [sflag:s21], $0x2000  }
0x1ee: {  	[sflag:s21] =	ssyncset.done $0x0  }
0x1ef: {  	[sflag:s21] =	ssyncadd.s32 $0xFFFFE000  }
.Ltmp6:
0x1f0: {  	(pc) =	sbr.rel @p1 .LBB2_13-.Ltmp6, $2  }
0x1f1: {  	_ =	sdelay $0x2  }
0x1f2: {  	s13 =	rddreg [dreg:$0x10]  }
0x1f3: {  	_ =	swait.ge [sflag:s23], $0x4000  }
0x1f4: {  	[sflag:s23] =	ssyncset.done $0x0  }
0x1f5: {  	[sflag:s23] =	ssyncadd.s32 $0xFFFFC000  }
0x1f6: {  	_ =	swait.ge [sflag:s23], $0x2000  }
0x1f7: {  	[sflag:s23] =	ssyncset.done $0x0  }
0x1f8: {  	s0 =	simm.s32 $0x0;
	s28 =	simm.s32 $0x8240;
	[sflag:s23] =	ssyncadd.s32 $0xFFFFE000  }
0x1f9: {  	s8 =	sand.u32 $0x3800, s0;
	s0 =	sand.u32 $0x380, s0;
	v24 =	vld [tilespmem:s28+$0xFFFFFFC0]  }
0x1fa: {  	s0 =	sor.u32 s0, s8;
	v9 =	vld [tilespmem:s28+$0xFFFFFFD0]  }
0x1fb: {  	v7 =	vld [tilespmem:s0+$0x200]  }
0x1fc: {  	v8 =	vld [tilespmem:s0+$0x210]  }
0x1fd: {  	v13 =	vld [tilespmem:s28+$0xFFFFFFE0]  }
0x1fe: {  	v11 =	vld [tilespmem:s0+$0x220]  }
0x1ff: {  	v10 =	vld [tilespmem:s28+$0xFFFFFFF0]  }
0x200: {  	v12 =	vld [tilespmem:s0+$0x230]  }
0x201: {  	v14 =	vld [tilespmem:s28+$0x0];
	v15 =	vmul.f32 v7, v24;
	v8 =	vmul.f32 v8, v9  }
0x202: {  	v16 =	vld [tilespmem:s0+$0x240]  }
0x203: {  	v17 =	vld [tilespmem:s0+$0x250];
	v11 =	vmul.f32 v11, v13;
	v15 =	vadd.f32 v8, v15  }
0x204: {  	v7 =	vld [tilespmem:s28+$0x10]  }
0x205: {  	v12 =	vmul.f32 v12, v10;
	v8 =	vld [tilespmem:s28+$0x20];
	v11 =	vadd.f32 v11, v15  }
0x206: {  	v15 =	vld [tilespmem:s0+$0x260]  }
0x207: {  	v25 =	vld [tilespmem:s28+$0x30];
	v11 =	vadd.f32 v12, v11;
	v12 =	vmul.f32 v16, v14  }
0x208: {  	v16 =	vld [tilespmem:s0+$0x270]  }
0x209: {  	v11 =	vadd.f32 v12, v11;
	v12 =	vmul.f32 v17, v7;
	_ =	sdelay $0x1  }
0x20a: {  	v11 =	vadd.f32 v12, v11;
	v12 =	vmul.f32 v15, v8;
	_ =	sdelay $0x1  }
0x20b: {  	s17 =	simm.s32 $0x80;
	s10 =	simm.s32 $0x100;
	v11 =	vadd.f32 v12, v11;
	v12 =	vmul.f32 v16, v25  }
0x20c: {  	s10 =	sand.u32 $0x3800, s10;
	s8 =	sand.u32 $0x380, s17  }
0x20d: {  	s10 =	sor.u32 s8, s10;
	v11 =	vadd.f32 v12, v11  }
0x20e: {  	v18 =	vld [tilespmem:s10+$0x200]  }
0x20f: {  	v20 =	vld [tilespmem:s10+$0x210];
	v16 =	vperm.xlane v11, v0  }
0x210: {  	s29 =	simm.s32 $0x82C0;
	v21 =	vld [tilespmem:s10+$0x220]  }
0x211: {  	v15 =	vld [tilespmem:s29+$0xFFFFFFD0];
	v16 =	vadd.f32 v11, v16  }
0x212: {  	v12 =	vld [tilespmem:s29+$0xFFFFFFC0]  }
0x213: {  	v22 =	vld [tilespmem:s10+$0x230];
	v19 =	vperm.xlane v16, v1  }
0x214: {  	v11 =	vld [tilespmem:s29+$0xFFFFFFE0]  }
0x215: {  	v27 =	vld [tilespmem:s10+$0x240];
	v16 =	vadd.f32 v16, v19  }
0x216: {  	v17 =	vld [tilespmem:s29+$0xFFFFFFF0];
	v23 =	vmul.f32 v20, v15  }
0x217: {  	v29 =	vld [tilespmem:s10+$0x260];
	v18 =	vmul.f32 v18, v12;
	v26 =	vperm.xlane v16, v2  }
0x218: {  	v19 =	vld [tilespmem:s29+$0x0]  }
0x219: {  	v20 =	vld [tilespmem:s29+$0x10];
	v23 =	vadd.f32 v23, v18;
	v21 =	vmul.f32 v21, v11;
	v16 =	vadd.f32 v16, v26  }
0x21a: {  	v26 =	vld [tilespmem:s10+$0x250]  }
0x21b: {  	v30 =	vld [tilespmem:s0+$0x670];
	v22 =	vmul.f32 v22, v17;
	v23 =	vadd.f32 v21, v23;
	v28 =	vperm.xlane v16, v6  }
0x21c: {  	v18 =	vld [tilespmem:s29+$0x20]  }
0x21d: {  	v21 =	vld [tilespmem:s29+$0x30];
	v23 =	vadd.f32 v22, v23;
	v27 =	vmul.f32 v27, v19;
	v16 =	vadd.f32 v16, v28  }
0x21e: {  	v28 =	vld [tilespmem:s10+$0x270]  }
0x21f: {  	v27 =	vadd.f32 v27, v23;
	v26 =	vmul.f32 v26, v20;
	(erf) = vrcp.f32 v16  }
0x220: {  	v31 =	vld [tilespmem:s0+$0x600]  }
0x221: {  	s30 =	simm.s32 $0x8340;
	v30 =	vmul.f32 v30, v25;
	v25 =	vld [tilespmem:s0+$0x650];
	v26 =	vadd.f32 v26, v27;
	v27 =	vmul.f32 v29, v18  }
0x222: {  	v22 =	vld [tilespmem:s30+$0xFFFFFFE0]  }
0x223: {  	v23 =	vld [tilespmem:s30+$0xFFFFFFD0];
	v26 =	vadd.f32 v27, v26;
	v27 =	vmul.f32 v28, v21  }
0x224: {  	v29 =	vld [tilespmem:s0+$0x610]  }
0x225: {  	v28 =	vld [tilespmem:s0+$0x620];
	v32 =	vadd.f32 v27, v26  }
0x226: {  	s31 =	simm.s32 $0x100;
	s13 =	simm.s32 $0x200;
	v26 =	vld [tilespmem:s0+$0x630]  }
0x227: {  	s14 =	sand.u32 $0x3800, s13;
	s8 =	sand.u32 $0x380, s31;
	v27 =	vld [tilespmem:s0+$0x640];
	v33 =	vperm.xlane v32, v0  }
0x228: {  	s8 =	sor.u32 s8, s14;
	s14 =	simm.s32 $0x180;
	v31 =	vmul.f32 v31, v24;
	v16 =	vld [tilespmem:s30+$0xFFFFFFC0];
	v24 =	vpop (erf)  }
.LBB2_11:
0x229: {  	p2 =	sne.s32 s14, $0x1F80;
	v34 =	vld [tilespmem:s8+$0x200];
	v32 =	vadd.f32 v32, v33;
	v29 =	vmul.f32 v29, v9;
	v30 =	vmul.f32 v24, v30;
	v9 =	vmovc v15  }
0x22a: {  	v15 =	vmovc v23;
	v33 =	vld [tilespmem:s8+$0x210];
	v28 =	vmul.f32 v28, v13;
	v31 =	vmul.f32 v24, v31;
	v13 =	vmovc v11;
	v11 =	vmov v22  }
0x22b: {  	v22 =	vperm.xlane v32, v1;
	v23 =	vmul.f32 v26, v10;
	v26 =	vld [tilespmem:s0+$0x660];
	[tilespmem:s28+$0x30] =	vst v30;
	v10 =	vmov v17;
	s0 =	smov.u32 s10;
	s10 =	smov.u32 s8  }
0x22c: {  	v29 =	vmul.f32 v24, v29;
	v30 =	vld [tilespmem:s10+$0x220];
	v27 =	vmul.f32 v27, v14;
	[tilespmem:s28+$0xFFFFFFC0] =	vst v31;
	v14 =	vmov v19  }
0x22d: {  	v28 =	vmul.f32 v24, v28;
	v17 =	vld [tilespmem:s30+$0xFFFFFFF0];
	v22 =	vadd.f32 v32, v22;
	v25 =	vmul.f32 v25, v7;
	v7 =	vmovc v20  }
0x22e: {  	v20 =	vmul.f32 v24, v23;
	v31 =	vmul.f32 v34, v16;
	v32 =	vld [tilespmem:s10+$0x230];
	[tilespmem:s28+$0xFFFFFFD0] =	vst v29  }
0x22f: {  	v19 =	vld [tilespmem:s30+$0x0];
	v23 =	vmul.f32 v33, v15;
	v29 =	vperm.xlane v22, v2;
	[tilespmem:s28+$0xFFFFFFE0] =	vst v28  }
0x230: {  	v27 =	vmul.f32 v24, v27;
	v28 =	vld [tilespmem:s10+$0x240];
	v26 =	vmul.f32 v26, v8;
	[tilespmem:s28+$0xFFFFFFF0] =	vst v20;
	v8 =	vmov v18  }
0x231: {  	v20 =	vld [tilespmem:s30+$0x10];
	v23 =	vadd.f32 v23, v31;
	v30 =	vmul.f32 v30, v11;
	v22 =	vadd.f32 v22, v29  }
0x232: {  	v25 =	vmul.f32 v24, v25;
	v29 =	vld [tilespmem:s10+$0x250];
	[tilespmem:s28+$0x0] =	vst v27;
	v24 =	vmul.f32 v24, v26  }
0x233: {  	v18 =	vld [tilespmem:s30+$0x20];
	v23 =	vadd.f32 v30, v23;
	v26 =	vmul.f32 v32, v17;
	v27 =	vperm.xlane v22, v6  }
0x234: {  	v30 =	vld [tilespmem:s10+$0x260];
	[tilespmem:s28+$0x10] =	vst v25  }
0x235: {  	v25 =	vld [tilespmem:s30+$0x30];
	v23 =	vadd.f32 v26, v23;
	v26 =	vmul.f32 v28, v19;
	v27 =	vadd.f32 v22, v27;
	[tilespmem:s28+$0x20] =	vst v24;
	s28 =	smov.u32 s29;
	s29 =	smov.u32 s30  }
0x236: {  	s30 =	sadd.s32 $0x80, s30;
	v24 =	vld [tilespmem:s10+$0x270]  }
0x237: {  	v22 =	vld [tilespmem:s30+$0xFFFFFFE0];
	v26 =	vadd.f32 v26, v23;
	v28 =	vmul.f32 v29, v20;
	(erf) = vrcp.f32 v27  }
0x238: {  	v34 =	vld [tilespmem:s30+$0xFFFFFFC0]  }
0x239: {  	v23 =	vld [tilespmem:s30+$0xFFFFFFD0];
	v26 =	vadd.f32 v28, v26;
	v27 =	vmul.f32 v30, v18  }
0x23a: {  	v30 =	vld [tilespmem:s0+$0x670]  }
0x23b: {  	v26 =	vadd.f32 v27, v26;
	v24 =	vmul.f32 v24, v25;
	v31 =	vld [tilespmem:s0+$0x600]  }
.Ltmp7:
0x23c: {  	v29 =	vld [tilespmem:s0+$0x610];
	(pc) =	sbr.rel @p2 .LBB2_11-.Ltmp7, $4  }
0x23d: {  	v32 =	vadd.f32 v24, v26;
	v28 =	vld [tilespmem:s0+$0x620]  }
0x23e: {  	s13 =	sadd.s32 $0x100, s13;
	v26 =	vld [tilespmem:s0+$0x630]  }
0x23f: {  	s17 =	sand.u32 $0x380, s14;
	s8 =	sand.u32 $0x3800, s13;
	v33 =	vperm.xlane v32, v0;
	v27 =	vld [tilespmem:s0+$0x640];
	v30 =	vmul.f32 v30, v21;
	v21 =	vmov v25  }
0x240: {  	s14 =	sadd.s32 $0x80, s14;
	s8 =	sor.u32 s17, s8;
	v31 =	vmul.f32 v31, v12;
	v25 =	vld [tilespmem:s0+$0x650];
	v24 =	vpop (erf);
	v12 =	vmov v16;
	v16 =	vmov v34  }
0x241: {  	v34 =	vld [tilespmem:s8+$0x200]  }
0x242: {  	v35 =	vld [tilespmem:s8+$0x210];
	_ =	sdelay $0x1  }
0x243: {  	v36 =	vld [tilespmem:s8+$0x220]  }
0x244: {  	v37 =	vld [tilespmem:s30+$0xFFFFFFF0]  }
0x245: {  	v38 =	vld [tilespmem:s8+$0x230]  }
0x246: {  	v39 =	vld [tilespmem:s30+$0x0];
	v34 =	vmul.f32 v34, v16;
	v35 =	vmul.f32 v35, v23  }
0x247: {  	v40 =	vld [tilespmem:s8+$0x240]  }
0x248: {  	v41 =	vld [tilespmem:s30+$0x10];
	v47 =	vmul.f32 v36, v22;
	v34 =	vadd.f32 v35, v34  }
0x249: {  	v48 =	vld [tilespmem:s8+$0x250]  }
0x24a: {  	v42 =	vld [tilespmem:s30+$0x20];
	v49 =	vmul.f32 v38, v37;
	v34 =	vadd.f32 v47, v34  }
0x24b: {  	v50 =	vld [tilespmem:s8+$0x260]  }
0x24c: {  	v43 =	vld [tilespmem:s30+$0x30];
	v51 =	vmul.f32 v40, v39;
	v34 =	vadd.f32 v49, v34  }
0x24d: {  	v52 =	vld [tilespmem:s8+$0x270]  }
0x24e: {  	v53 =	vmul.f32 v48, v41;
	v34 =	vadd.f32 v51, v34;
	_ =	sdelay $0x1  }
0x24f: {  	v32 =	vadd.f32 v32, v33;
	v55 =	vmul.f32 v50, v42;
	v54 =	vadd.f32 v53, v34;
	_ =	sdelay $0x1  }
0x250: {  	v56 =	vperm.xlane v32, v1;
	v57 =	vmul.f32 v52, v43;
	v33 =	vadd.f32 v55, v54;
	_ =	sdelay $0x1  }
0x251: {  	v32 =	vadd.f32 v32, v56;
	v33 =	vadd.f32 v57, v33;
	_ =	sdelay $0x1  }
0x252: {  	v34 =	vperm.xlane v32, v2;
	v35 =	vperm.xlane v33, v0;
	_ =	sdelay $0x1  }
0x253: {  	v32 =	vadd.f32 v32, v34;
	v33 =	vadd.f32 v33, v35;
	_ =	sdelay $0x1  }
0x254: {  	v34 =	vperm.xlane v32, v6;
	v35 =	vperm.xlane v33, v1;
	_ =	sdelay $0x1  }
0x255: {  	v32 =	vadd.f32 v32, v34;
	v33 =	vadd.f32 v33, v35;
	_ =	sdelay $0x1  }
0x256: {  	(erf) = vrcp.f32 v32;
	v58 =	vperm.xlane v33, v2  }
0x257: {  	v9 =	vmul.f32 v29, v9;
	v59 =	vld [tilespmem:s0+$0x660];
	v30 =	vmul.f32 v24, v30  }
0x258: {  	v61 =	vld [tilespmem:s10+$0x670];
	v13 =	vmul.f32 v28, v13;
	v31 =	vmul.f32 v24, v31;
	v60 =	vadd.f32 v33, v58  }
0x259: {  	v10 =	vmul.f32 v26, v10;
	v9 =	vmul.f32 v24, v9  }
0x25a: {  	v62 =	vld [tilespmem:s10+$0x600];
	[tilespmem:s28+$0x30] =	vst v30;
	v14 =	vmul.f32 v27, v14;
	v63 =	vperm.xlane v60, v6  }
0x25b: {  	[tilespmem:s28+$0xFFFFFFC0] =	vst v31;
	v13 =	vmul.f32 v24, v13;
	v7 =	vmul.f32 v25, v7;
	v32 =	vld [tilespmem:s10+$0x610]  }
0x25c: {  	[tilespmem:s28+$0xFFFFFFD0] =	vst v9;
	v8 =	vmul.f32 v59, v8;
	v36 =	vmul.f32 v24, v14;
	v34 =	vld [tilespmem:s10+$0x620];
	v35 =	vadd.f32 v60, v63  }
0x25d: {  	[tilespmem:s28+$0xFFFFFFE0] =	vst v13;
	v38 =	vld [tilespmem:s10+$0x630];
	v21 =	vmul.f32 v61, v21;
	v7 =	vmul.f32 v24, v7  }
0x25e: {  	v40 =	vld [tilespmem:s10+$0x640];
	[tilespmem:s28+$0x0] =	vst v36;
	v8 =	vmul.f32 v24, v8;
	(erf) = vrcp.f32 v35  }
0x25f: {  	v45 =	vld [tilespmem:s10+$0x650];
	v12 =	vmul.f32 v62, v12;
	[tilespmem:s28+$0x10] =	vst v7;
	v33 =	vmul.f32 v24, v10;
	v44 =	vpop (erf)  }
0x260: {  	v47 =	vld [tilespmem:s10+$0x660];
	[tilespmem:s28+$0x20] =	vst v8;
	v7 =	vmul.f32 v32, v15;
	v46 =	vmul.f32 v44, v21  }
0x261: {  	v49 =	vld [tilespmem:s8+$0x670];
	v8 =	vmul.f32 v34, v11;
	[tilespmem:s28+$0xFFFFFFF0] =	vst v33;
	v48 =	vmul.f32 v44, v12  }
0x262: {  	v50 =	vmul.f32 v38, v17;
	v51 =	vld [tilespmem:s8+$0x600];
	v7 =	vmul.f32 v44, v7;
	[tilespmem:s29+$0x30] =	vst v46  }
0x263: {  	v52 =	vld [tilespmem:s8+$0x610];
	v9 =	vmul.f32 v40, v19;
	v8 =	vmul.f32 v44, v8;
	[tilespmem:s29+$0xFFFFFFC0] =	vst v48  }
0x264: {  	v13 =	vmul.f32 v45, v20;
	v53 =	vld [tilespmem:s8+$0x620];
	[tilespmem:s29+$0xFFFFFFD0] =	vst v7;
	v7 =	vmul.f32 v44, v50  }
0x265: {  	v54 =	vld [tilespmem:s8+$0x630];
	v9 =	vmul.f32 v44, v9;
	[tilespmem:s29+$0xFFFFFFE0] =	vst v8;
	v8 =	vmul.f32 v47, v18  }
0x266: {  	v55 =	vld [tilespmem:s8+$0x640];
	v11 =	vmul.f32 v49, v43;
	[tilespmem:s29+$0xFFFFFFF0] =	vst v7;
	v7 =	vmul.f32 v44, v13  }
0x267: {  	v56 =	vmul.f32 v51, v16;
	v57 =	vld [tilespmem:s8+$0x650];
	[tilespmem:s29+$0x0] =	vst v9;
	v8 =	vmul.f32 v44, v8;
	v58 =	vpop (erf)  }
0x268: {  	v60 =	vld [tilespmem:s8+$0x660];
	[tilespmem:s29+$0x10] =	vst v7;
	v7 =	vmul.f32 v52, v23;
	v59 =	vmul.f32 v58, v11  }
0x269: {  	[tilespmem:s29+$0x20] =	vst v8;
	v8 =	vmul.f32 v53, v22;
	v9 =	vmul.f32 v58, v56  }
0x26a: {  	v61 =	vmul.f32 v54, v37;
	v7 =	vmul.f32 v58, v7;
	[tilespmem:s30+$0x30] =	vst v59  }
0x26b: {  	v62 =	vmul.f32 v55, v39;
	v8 =	vmul.f32 v58, v8;
	[tilespmem:s30+$0xFFFFFFC0] =	vst v9  }
0x26c: {  	v63 =	vmul.f32 v57, v41;
	[tilespmem:s30+$0xFFFFFFD0] =	vst v7;
	v7 =	vmul.f32 v58, v61  }
0x26d: {  	v10 =	vmul.f32 v58, v62;
	[tilespmem:s30+$0xFFFFFFE0] =	vst v8;
	v8 =	vmul.f32 v60, v42  }
0x26e: {  	[tilespmem:s30+$0xFFFFFFF0] =	vst v7;
	v7 =	vmul.f32 v58, v63  }
0x26f: {  	[tilespmem:s30+$0x0] =	vst v10;
	v8 =	vmul.f32 v58, v8  }
0x270: {  	[tilespmem:s30+$0x10] =	vst v7  }
.Ltmp8:
0x271: {  	[tilespmem:s30+$0x20] =	vst v8;
	(pc) =	sbr.rel .LBB2_13-.Ltmp8, $4  }
0x272: {  	[spmem:s1] =	stream.indirect.scatter.add.f32 [tilespmem:s6], [sflag:$0x3], $0x80, s22, s26, $0xb8;
	[tilespmem:$0x1FA80] =	vst v63  }
0x273: {  	_ =	swait.ge [sflag:s21], $0x2000  }
0x274: {  	[sflag:s21] =	ssyncset.done $0x0  }
0x275: {  	s13 =	rddreg [dreg:$0x10];
	[sflag:s21] =	ssyncadd.s32 $0xFFFFE000  }
.LBB2_14:
0x276: {  	_ =	sfence.sel $0x180000  }
0x277: {  	[bflag:$0x0] =	sbarrier.arrive $0xFFFF  }
0x278: {  	_ =	strace $0x90000047  }
0x279: {  	[bflag:$0x2] =	sbarrier.arrive $0xFFFF  }
0x27a: {  	s0 =	rddreg [dreg:$0x3]  }
0x27b: {  	s0 =	sadd.s32 @!p0 $0x100000, s0  }
0x27c: {  	[sflag:s0] =	ssyncadd.tile.s32 @!p0 $0x1;
	_ =	shalt  }
.Lfunc_end2:
_tile_overlayer_lowered:
.L_overlay_start_2:
0x27d: {  	(tag) =	ssettag $0x2  }
0x27e: {  	s0 =	rddreg [dreg:$0x0];
	s2 =	stileid.u32  }
0x27f: {  	s1 =	rddreg [dreg:$0x1];
	p0 =	sne.s32 s2, $0x0  }
0x280: {  	s3 =	rddreg [dreg:$0x2];
	[bflag:$0x3] =	sbarrier.arrive $0xFFFF;
	s2 =	simm.s32 @!p0 $0x1C03  }
0x281: {  	[timem:s3], [sflag:s2] =	dma.local @!p0 [hbm:s0], s1  }
0x282: {  	s0 =	simm.s32 @!p0 $0x3  }
0x283: {  	_ =	swait.ge @!p0 [sflag:s0], s1  }
0x284: {  	s1 =	ssub.s32 @!p0 $0x0, s1;
	[sflag:s0] =	ssyncset.done @!p0 $0x0  }
0x285: {  	[sflag:s0] =	ssyncadd.s32 @!p0 s1  }
0x286: {  	[bflag:$0x3] =	sbarrier.arrive $0xFFFF  }
0x287: {  	_ =	shalt  }

</sc_bundles>
